<compile_context>
chip_gen: v7x
topology: tpu7x:2x2x1
jax: 0.10.2.dev20260603
libtpu: 0.0.44.dev20260713+nightly
codegen_flags: <defaults>
</compile_context>

<pallas_src>
import functools

import jax
import jax.numpy as jnp
import numpy as _np
from jax import lax
from jax.experimental import pallas as pl
from jax.experimental.pallas import tpu as pltpu
from jax.experimental.pallas import tpu_sc as plsc

_INFO = plsc.get_sparse_core_info()
_NC, _NS = _INFO.num_cores, _INFO.num_subcores
_NW = _NC * _NS

_NPOINT = 128 * 50000
_PLANE = _NPOINT
_PER_W = _NPOINT // _NW
_CP = 10_000
_NCHUNK = _PER_W // _CP
_NBUF = 3
_STEPS = _CP // 16
_UNROLL = 2

_R96 = float(_np.float32(1.0 / 96))
_R12 = float(_np.float32(1.0 / 12))
_R6 = float(_np.float32(1.0 / 6))
_R3 = float(_np.float32(1.0 / 3))
_B0 = float(_np.float32(_np.float32(1.0) / _np.float32(3.0) + _np.float32(-0.5)))
_B1 = float(_np.float32(_np.float32(2.0) / _np.float32(3.0) + _np.float32(-0.5)))


def _zconst(zb):
    f32 = _np.float32
    v = f32((f32(zb) + f32(0.5)) / f32(3.0) + f32(-0.5))
    return float(f32(_np.round(v * f32(10000.0)) / f32(10000.0)))


_Z0, _Z1, _Z2 = _zconst(0), _zconst(1), _zconst(2)


def _compute_step(be, bp, bz, off):
    sl = pl.ds(off, 16)
    eta = be[sl]
    phi = bp[sl]
    z = bz[sl]

    is0 = z <= _B0
    is01 = z <= _B1

    n_e = jnp.where(is0, 96.0, jnp.where(is01, 12.0, 6.0))
    r_e = jnp.where(is0, _R96, jnp.where(is01, _R12, _R6))
    n_p = jnp.where(is0, 3.0, 12.0)
    r_p = jnp.where(is0, _R3, _R12)

    def chan(v, n, r):
        b = jnp.clip((v + 0.5) * n, 0.0, n - 1.0).astype(jnp.int32).astype(
            jnp.float32)
        return (b + 0.5) * r - 0.5

    be[sl] = chan(eta, n_e, r_e)
    bp[sl] = chan(phi, n_p, r_p)
    bz[sl] = jnp.where(is0, _Z0, jnp.where(is01, _Z1, _Z2))


@functools.partial(
    pl.kernel,
    mesh=plsc.VectorSubcoreMesh(core_axis_name="c", subcore_axis_name="s"),
    out_type=jax.ShapeDtypeStruct((3 * _PLANE,), jnp.float32),
    scratch_types=[
        pltpu.VMEM((_NBUF * _CP,), jnp.float32),
        pltpu.VMEM((_NBUF * _CP,), jnp.float32),
        pltpu.VMEM((_NBUF * _CP,), jnp.float32),
        pltpu.SemaphoreType.DMA((_NBUF,)),
        pltpu.SemaphoreType.DMA((_NBUF,)),
    ],
    compiler_params=pltpu.CompilerParams(needs_layout_passes=False),
)
def _bucketize_sc(x_hbm, out_hbm, be, bp, bz, sem_in, sem_out):
    wid = lax.axis_index("s") * _NC + lax.axis_index("c")
    base = wid * _PER_W
    planes = (be, bp, bz)

    def in_copies(g, b):
        q = base + g * _CP
        return [
            pltpu.make_async_copy(
                x_hbm.at[pl.ds(c * _PLANE + q, _CP)],
                planes[c].at[pl.ds(b * _CP, _CP)], sem_in.at[b])
            for c in range(3)
        ]

    def out_copies(g, b):
        q = base + g * _CP
        return [
            pltpu.make_async_copy(
                planes[c].at[pl.ds(b * _CP, _CP)],
                out_hbm.at[pl.ds(c * _PLANE + q, _CP)], sem_out.at[b])
            for c in range(3)
        ]

    for c in in_copies(0, 0):
        c.start()

    def chunk_body(g, carry):
        b = lax.rem(g, _NBUF)
        nb = lax.rem(g + 1, _NBUF)

        @pl.when(g + 1 < _NCHUNK)
        def _prefetch():
            @pl.when(g >= _NBUF - 1)
            def _drain():
                for c in out_copies(g + 1 - _NBUF, nb):
                    c.wait()

            for c in in_copies(g + 1, nb):
                c.start()

        for c in in_copies(g, b):
            c.wait()

        boff = b * _CP

        @plsc.parallel_loop(0, _CP, step=16, unroll=_UNROLL)
        def _step(i):
            _compute_step(be, bp, bz, boff + i)
        for c in out_copies(g, b):
            c.start()
        return carry

    lax.fori_loop(0, _NCHUNK, chunk_body, 0)

    for g in range(_NCHUNK - _NBUF, _NCHUNK):
        for c in out_copies(g, g % _NBUF):
            c.wait()


def kernel(x):
    xt = jnp.transpose(x, (2, 1, 0))
    out = _bucketize_sc(xt.reshape(-1))
    return out.reshape(3, 50000, 128).transpose(2, 1, 0)

# --- scband reference (transcript-rebuilt; emitter-appended) ---
"""Pipeline reference for scband-bucketize-ste-47674136985642 (READ-ONLY COPY).

The authoritative reference and input builder live on the scoring server;
editing this copy changes nothing except your own understanding.
"""

import jax, jax.numpy as jnp
import numpy as np

LAYER_SPECS = [(3, 96), (12, 12), (12, 6)]
SHIFT = -0.5
NUM_LAYERS = len(LAYER_SPECS)
ETA_IDX = 0
PHI_IDX = 1
Z_IDX = 2

# torch.range(1, n-1) is inclusive of n-1 -> jnp.arange(1, n)
ETA_BOUNDARIES = [jnp.arange(1, LAYER_SPECS[i][1], dtype=jnp.float32) / LAYER_SPECS[i][1] + SHIFT for i in range(NUM_LAYERS)]
PHI_BOUNDARIES = [jnp.arange(1, LAYER_SPECS[i][0], dtype=jnp.float32) / LAYER_SPECS[i][0] + SHIFT for i in range(NUM_LAYERS)]
Z_BOUNDARIES = jnp.arange(1, NUM_LAYERS, dtype=jnp.float32) / NUM_LAYERS + SHIFT


def _bucketize(boundaries, v):
    # torch.bucketize(right=False): boundaries[i-1] < v <= boundaries[i]
    # == jnp.searchsorted(boundaries, v, side='left')
    return jnp.searchsorted(boundaries, v, side='left')


def _forward(x):
    eta = x[:, :, ETA_IDX]
    phi = x[:, :, PHI_IDX]
    z = x[:, :, Z_IDX]
    z_bins = _bucketize(Z_BOUNDARIES, z)
    new_z = (z_bins.astype(jnp.float32) + 0.5) / NUM_LAYERS + SHIFT
    new_phi = jnp.zeros_like(phi)
    new_eta = jnp.zeros_like(eta)
    for i in range(NUM_LAYERS):
        pb = _bucketize(PHI_BOUNDARIES[i], phi)
        pv = (pb.astype(jnp.float32) + 0.5) / LAYER_SPECS[i][0] + SHIFT
        eb = _bucketize(ETA_BOUNDARIES[i], eta)
        ev = (eb.astype(jnp.float32) + 0.5) / LAYER_SPECS[i][1] + SHIFT
        mask = z_bins == i
        new_phi = jnp.where(mask, pv, new_phi)
        new_eta = jnp.where(mask, ev, new_eta)
    out = jnp.stack([new_eta, new_phi, new_z], axis=-1)
    out = jnp.round(out, 4)
    return out


def setup_inputs(seed: int = 0) -> dict:
    key = jax.random.key(seed)
    x = jax.random.normal(key, (128, 50000, 3), dtype=jnp.float32)
    return {"x": x}


def reference(x):
    return _forward(x)

if __name__ == "__main__":
    import jax
    _d = setup_inputs()
    print(jax.jit(kernel)(*tuple(_d.values())))

</pallas_src>

<mosaic_0001>
#map = affine_map<(d0, d1) -> (0)>
module attributes {stable_mosaic.version = 14 : i64} {
  func.func @_bucketize_sc(%arg0: i32, %arg1: i32, %arg2: memref<19200000xf32, #tpu.memory_space<hbm>>, %arg3: memref<19200000xf32, #tpu.memory_space<hbm>>, %arg4: memref<30000xf32, #tpu.memory_space<vmem>>, %arg5: memref<30000xf32, #tpu.memory_space<vmem>>, %arg6: memref<30000xf32, #tpu.memory_space<vmem>>, %arg7: memref<3x!tpu.dma_semaphore, #tpu.memory_space<semaphore_mem>>, %arg8: memref<3x!tpu.dma_semaphore, #tpu.memory_space<semaphore_mem>>) attributes {dimension_semantics = [#tpu.dimension_semantics<core_parallel>, #tpu.dimension_semantics<subcore_parallel>], iteration_bounds = array<i64: 2, 16>, scalar_prefetch = 0 : i64, scratch_operands = 5 : i64, tpu.core_type = #tpu.core_type<sc_vector_subcore>, window_params = [{transform_indices = #map}, {transform_indices = #map}]} {
    %mul3A = arith.constant 2 : i32
    %mul3A_0 = arith.muli %arg1, %mul3A : i32
    %add3A = arith.addi %mul3A_0, %arg0 : i32
    %mul3A_1 = arith.constant 200000 : i32
    %mul3A_2 = arith.muli %add3A, %mul3A_1 : i32
    %add3A_3 = arith.constant 0 : i32
    %add3A_4 = arith.addi %mul3A_2, %add3A_3 : i32
    %add3A_5 = arith.constant 0 : i32
    %add3A_6 = arith.addi %add3A_5, %add3A_4 : i32
    %add3A_7 = arith.constant 6400000 : i32
    %add3A_8 = arith.addi %add3A_7, %add3A_4 : i32
    %add3A_9 = arith.constant 12800000 : i32
    %add3A_10 = arith.addi %add3A_9, %add3A_4 : i32
    %dma_start3A = arith.constant 0 : i32
    %dma_start3A_11 = arith.constant 0 : i32
    %dma_start3A_12 = tpu.memref_slice %arg4[%dma_start3A_11] : memref<30000xf32, #tpu.memory_space<vmem>> -> memref<10000xf32, #tpu.memory_space<vmem>>
    %dma_start3A_13 = tpu.memref_slice %arg2[%add3A_6] : memref<19200000xf32, #tpu.memory_space<hbm>> -> memref<10000xf32, #tpu.memory_space<hbm>>
    %dma_start3A_14 = tpu.memref_slice %arg7[%dma_start3A] : memref<3x!tpu.dma_semaphore, #tpu.memory_space<semaphore_mem>> -> memref<1x!tpu.dma_semaphore, #tpu.memory_space<semaphore_mem>>
    %dma_start3A_15 = tpu.memref_squeeze %dma_start3A_14 : memref<1x!tpu.dma_semaphore, #tpu.memory_space<semaphore_mem>> -> memref<!tpu.dma_semaphore, #tpu.memory_space<semaphore_mem>>
    %dma_start3A_16 = arith.constant 0 : i32
    %dma_start3A_17 = tpu.memref_slice %arg4[%dma_start3A_16] : memref<30000xf32, #tpu.memory_space<vmem>> -> memref<10000xf32, #tpu.memory_space<vmem>>
    %dma_start3A_18 = tpu.memref_slice %arg2[%add3A_6] : memref<19200000xf32, #tpu.memory_space<hbm>> -> memref<10000xf32, #tpu.memory_space<hbm>>
    tpu.enqueue_dma source(%dma_start3A_18 : memref<10000xf32, #tpu.memory_space<hbm>>) target(%dma_start3A_17 : memref<10000xf32, #tpu.memory_space<vmem>>) target_semaphore(%dma_start3A_15 : memref<!tpu.dma_semaphore, #tpu.memory_space<semaphore_mem>>)
    %dma_start3A_19 = arith.constant 0 : i32
    %dma_start3A_20 = arith.constant 0 : i32
    %dma_start3A_21 = tpu.memref_slice %arg5[%dma_start3A_20] : memref<30000xf32, #tpu.memory_space<vmem>> -> memref<10000xf32, #tpu.memory_space<vmem>>
    %dma_start3A_22 = tpu.memref_slice %arg2[%add3A_8] : memref<19200000xf32, #tpu.memory_space<hbm>> -> memref<10000xf32, #tpu.memory_space<hbm>>
    %dma_start3A_23 = tpu.memref_slice %arg7[%dma_start3A_19] : memref<3x!tpu.dma_semaphore, #tpu.memory_space<semaphore_mem>> -> memref<1x!tpu.dma_semaphore, #tpu.memory_space<semaphore_mem>>
    %dma_start3A_24 = tpu.memref_squeeze %dma_start3A_23 : memref<1x!tpu.dma_semaphore, #tpu.memory_space<semaphore_mem>> -> memref<!tpu.dma_semaphore, #tpu.memory_space<semaphore_mem>>
    %dma_start3A_25 = arith.constant 0 : i32
    %dma_start3A_26 = tpu.memref_slice %arg5[%dma_start3A_25] : memref<30000xf32, #tpu.memory_space<vmem>> -> memref<10000xf32, #tpu.memory_space<vmem>>
    %dma_start3A_27 = tpu.memref_slice %arg2[%add3A_8] : memref<19200000xf32, #tpu.memory_space<hbm>> -> memref<10000xf32, #tpu.memory_space<hbm>>
    tpu.enqueue_dma source(%dma_start3A_27 : memref<10000xf32, #tpu.memory_space<hbm>>) target(%dma_start3A_26 : memref<10000xf32, #tpu.memory_space<vmem>>) target_semaphore(%dma_start3A_24 : memref<!tpu.dma_semaphore, #tpu.memory_space<semaphore_mem>>)
    %dma_start3A_28 = arith.constant 0 : i32
    %dma_start3A_29 = arith.constant 0 : i32
    %dma_start3A_30 = tpu.memref_slice %arg6[%dma_start3A_29] : memref<30000xf32, #tpu.memory_space<vmem>> -> memref<10000xf32, #tpu.memory_space<vmem>>
    %dma_start3A_31 = tpu.memref_slice %arg2[%add3A_10] : memref<19200000xf32, #tpu.memory_space<hbm>> -> memref<10000xf32, #tpu.memory_space<hbm>>
    %dma_start3A_32 = tpu.memref_slice %arg7[%dma_start3A_28] : memref<3x!tpu.dma_semaphore, #tpu.memory_space<semaphore_mem>> -> memref<1x!tpu.dma_semaphore, #tpu.memory_space<semaphore_mem>>
    %dma_start3A_33 = tpu.memref_squeeze %dma_start3A_32 : memref<1x!tpu.dma_semaphore, #tpu.memory_space<semaphore_mem>> -> memref<!tpu.dma_semaphore, #tpu.memory_space<semaphore_mem>>
    %dma_start3A_34 = arith.constant 0 : i32
    %dma_start3A_35 = tpu.memref_slice %arg6[%dma_start3A_34] : memref<30000xf32, #tpu.memory_space<vmem>> -> memref<10000xf32, #tpu.memory_space<vmem>>
    %dma_start3A_36 = tpu.memref_slice %arg2[%add3A_10] : memref<19200000xf32, #tpu.memory_space<hbm>> -> memref<10000xf32, #tpu.memory_space<hbm>>
    tpu.enqueue_dma source(%dma_start3A_36 : memref<10000xf32, #tpu.memory_space<hbm>>) target(%dma_start3A_35 : memref<10000xf32, #tpu.memory_space<vmem>>) target_semaphore(%dma_start3A_33 : memref<!tpu.dma_semaphore, #tpu.memory_space<semaphore_mem>>)
    %scan3A = arith.constant 0 : i32
    %scan3A_37 = arith.constant 0 : i32
    %scan3A_38 = arith.constant 20 : i32
    %scan3A_39 = arith.addi %scan3A_37, %scan3A_38 : i32
    %scan3A_40 = arith.constant 1 : i32
    scf.for %scan3A_146 = %scan3A_37 to %scan3A_39 step %scan3A_40  : i32 {
      %rem3A = arith.constant 3 : i32
      %rem3A_147 = arith.remsi %scan3A_146, %rem3A : i32
      %add3A_148 = arith.constant 1 : i32
      %add3A_149 = arith.addi %scan3A_146, %add3A_148 : i32
      %rem3A_150 = arith.constant 3 : i32
      %rem3A_151 = arith.remsi %add3A_149, %rem3A_150 : i32
      %add3A_152 = arith.constant 1 : i32
      %add3A_153 = arith.addi %scan3A_146, %add3A_152 : i32
      %lt3A = arith.constant 20 : i32
      %lt3A_154 = arith.cmpi slt, %add3A_153, %lt3A : i32
      %convert_element_type3A = arith.extui %lt3A_154 : i1 to i32
      %cond3A = arith.constant 0 : i32
      %cond3A_155 = arith.cmpi ne, %convert_element_type3A, %cond3A : i32
      scf.if %cond3A_155 {
        %ge3A = arith.constant 2 : i32
        %ge3A_226 = arith.cmpi sge, %scan3A_146, %ge3A : i32
        %convert_element_type3A_227 = arith.extui %ge3A_226 : i1 to i32
        %cond3A_228 = arith.constant 0 : i32
        %cond3A_229 = arith.cmpi ne, %convert_element_type3A_227, %cond3A_228 : i32
        scf.if %cond3A_229 {
          %add3A_265 = arith.constant 1 : i32
          %add3A_266 = arith.addi %scan3A_146, %add3A_265 : i32
          %sub3A = arith.constant 3 : i32
          %sub3A_267 = arith.subi %add3A_266, %sub3A : i32
          %mul3A_268 = arith.constant 10000 : i32
          %mul3A_269 = arith.muli %sub3A_267, %mul3A_268 : i32
          %add3A_270 = arith.addi %mul3A_2, %mul3A_269 : i32
          %mul3A_271 = arith.constant 10000 : i32
          %mul3A_272 = arith.muli %rem3A_151, %mul3A_271 : i32
          %add3A_273 = arith.constant 0 : i32
          %add3A_274 = arith.addi %add3A_273, %add3A_270 : i32
          %mul3A_275 = arith.constant 10000 : i32
          %mul3A_276 = arith.muli %rem3A_151, %mul3A_275 : i32
          %add3A_277 = arith.constant 6400000 : i32
          %add3A_278 = arith.addi %add3A_277, %add3A_270 : i32
          %mul3A_279 = arith.constant 10000 : i32
          %mul3A_280 = arith.muli %rem3A_151, %mul3A_279 : i32
          %add3A_281 = arith.constant 12800000 : i32
          %add3A_282 = arith.addi %add3A_281, %add3A_270 : i32
          %dma_wait3A_283 = tpu.memref_slice %arg4[%mul3A_272] : memref<30000xf32, #tpu.memory_space<vmem>> -> memref<10000xf32, #tpu.memory_space<vmem>>
          %dma_wait3A_284 = tpu.memref_slice %arg3[%add3A_274] : memref<19200000xf32, #tpu.memory_space<hbm>> -> memref<10000xf32, #tpu.memory_space<hbm>>
          %dma_wait3A_285 = tpu.memref_slice %arg8[%rem3A_151] : memref<3x!tpu.dma_semaphore, #tpu.memory_space<semaphore_mem>> -> memref<1x!tpu.dma_semaphore, #tpu.memory_space<semaphore_mem>>
          %dma_wait3A_286 = tpu.memref_squeeze %dma_wait3A_285 : memref<1x!tpu.dma_semaphore, #tpu.memory_space<semaphore_mem>> -> memref<!tpu.dma_semaphore, #tpu.memory_space<semaphore_mem>>
          %dma_wait3A_287 = tpu.memref_slice %arg3[%add3A_274] : memref<19200000xf32, #tpu.memory_space<hbm>> -> memref<10000xf32, #tpu.memory_space<hbm>>
          %dma_wait3A_288 = tpu.memref_slice %arg4[%mul3A_272] : memref<30000xf32, #tpu.memory_space<vmem>> -> memref<10000xf32, #tpu.memory_space<vmem>>
          tpu.wait_dma2 semaphore(%dma_wait3A_286 : memref<!tpu.dma_semaphore, #tpu.memory_space<semaphore_mem>>) src(%dma_wait3A_288 : memref<10000xf32, #tpu.memory_space<vmem>>) dst(%dma_wait3A_287 : memref<10000xf32, #tpu.memory_space<hbm>>)
          %dma_wait3A_289 = tpu.memref_slice %arg5[%mul3A_276] : memref<30000xf32, #tpu.memory_space<vmem>> -> memref<10000xf32, #tpu.memory_space<vmem>>
          %dma_wait3A_290 = tpu.memref_slice %arg3[%add3A_278] : memref<19200000xf32, #tpu.memory_space<hbm>> -> memref<10000xf32, #tpu.memory_space<hbm>>
          %dma_wait3A_291 = tpu.memref_slice %arg8[%rem3A_151] : memref<3x!tpu.dma_semaphore, #tpu.memory_space<semaphore_mem>> -> memref<1x!tpu.dma_semaphore, #tpu.memory_space<semaphore_mem>>
          %dma_wait3A_292 = tpu.memref_squeeze %dma_wait3A_291 : memref<1x!tpu.dma_semaphore, #tpu.memory_space<semaphore_mem>> -> memref<!tpu.dma_semaphore, #tpu.memory_space<semaphore_mem>>
          %dma_wait3A_293 = tpu.memref_slice %arg3[%add3A_278] : memref<19200000xf32, #tpu.memory_space<hbm>> -> memref<10000xf32, #tpu.memory_space<hbm>>
          %dma_wait3A_294 = tpu.memref_slice %arg5[%mul3A_276] : memref<30000xf32, #tpu.memory_space<vmem>> -> memref<10000xf32, #tpu.memory_space<vmem>>
          tpu.wait_dma2 semaphore(%dma_wait3A_292 : memref<!tpu.dma_semaphore, #tpu.memory_space<semaphore_mem>>) src(%dma_wait3A_294 : memref<10000xf32, #tpu.memory_space<vmem>>) dst(%dma_wait3A_293 : memref<10000xf32, #tpu.memory_space<hbm>>)
          %dma_wait3A_295 = tpu.memref_slice %arg6[%mul3A_280] : memref<30000xf32, #tpu.memory_space<vmem>> -> memref<10000xf32, #tpu.memory_space<vmem>>
          %dma_wait3A_296 = tpu.memref_slice %arg3[%add3A_282] : memref<19200000xf32, #tpu.memory_space<hbm>> -> memref<10000xf32, #tpu.memory_space<hbm>>
          %dma_wait3A_297 = tpu.memref_slice %arg8[%rem3A_151] : memref<3x!tpu.dma_semaphore, #tpu.memory_space<semaphore_mem>> -> memref<1x!tpu.dma_semaphore, #tpu.memory_space<semaphore_mem>>
          %dma_wait3A_298 = tpu.memref_squeeze %dma_wait3A_297 : memref<1x!tpu.dma_semaphore, #tpu.memory_space<semaphore_mem>> -> memref<!tpu.dma_semaphore, #tpu.memory_space<semaphore_mem>>
          %dma_wait3A_299 = tpu.memref_slice %arg3[%add3A_282] : memref<19200000xf32, #tpu.memory_space<hbm>> -> memref<10000xf32, #tpu.memory_space<hbm>>
          %dma_wait3A_300 = tpu.memref_slice %arg6[%mul3A_280] : memref<30000xf32, #tpu.memory_space<vmem>> -> memref<10000xf32, #tpu.memory_space<vmem>>
          tpu.wait_dma2 semaphore(%dma_wait3A_298 : memref<!tpu.dma_semaphore, #tpu.memory_space<semaphore_mem>>) src(%dma_wait3A_300 : memref<10000xf32, #tpu.memory_space<vmem>>) dst(%dma_wait3A_299 : memref<10000xf32, #tpu.memory_space<hbm>>)
        } else {
        }
        %add3A_230 = arith.constant 1 : i32
        %add3A_231 = arith.addi %scan3A_146, %add3A_230 : i32
        %mul3A_232 = arith.constant 10000 : i32
        %mul3A_233 = arith.muli %add3A_231, %mul3A_232 : i32
        %add3A_234 = arith.addi %mul3A_2, %mul3A_233 : i32
        %add3A_235 = arith.constant 0 : i32
        %add3A_236 = arith.addi %add3A_235, %add3A_234 : i32
        %mul3A_237 = arith.constant 10000 : i32
        %mul3A_238 = arith.muli %rem3A_151, %mul3A_237 : i32
        %add3A_239 = arith.constant 6400000 : i32
        %add3A_240 = arith.addi %add3A_239, %add3A_234 : i32
        %mul3A_241 = arith.constant 10000 : i32
        %mul3A_242 = arith.muli %rem3A_151, %mul3A_241 : i32
        %add3A_243 = arith.constant 12800000 : i32
        %add3A_244 = arith.addi %add3A_243, %add3A_234 : i32
        %mul3A_245 = arith.constant 10000 : i32
        %mul3A_246 = arith.muli %rem3A_151, %mul3A_245 : i32
        %dma_start3A_247 = tpu.memref_slice %arg4[%mul3A_238] : memref<30000xf32, #tpu.memory_space<vmem>> -> memref<10000xf32, #tpu.memory_space<vmem>>
        %dma_start3A_248 = tpu.memref_slice %arg2[%add3A_236] : memref<19200000xf32, #tpu.memory_space<hbm>> -> memref<10000xf32, #tpu.memory_space<hbm>>
        %dma_start3A_249 = tpu.memref_slice %arg7[%rem3A_151] : memref<3x!tpu.dma_semaphore, #tpu.memory_space<semaphore_mem>> -> memref<1x!tpu.dma_semaphore, #tpu.memory_space<semaphore_mem>>
        %dma_start3A_250 = tpu.memref_squeeze %dma_start3A_249 : memref<1x!tpu.dma_semaphore, #tpu.memory_space<semaphore_mem>> -> memref<!tpu.dma_semaphore, #tpu.memory_space<semaphore_mem>>
        %dma_start3A_251 = tpu.memref_slice %arg4[%mul3A_238] : memref<30000xf32, #tpu.memory_space<vmem>> -> memref<10000xf32, #tpu.memory_space<vmem>>
        %dma_start3A_252 = tpu.memref_slice %arg2[%add3A_236] : memref<19200000xf32, #tpu.memory_space<hbm>> -> memref<10000xf32, #tpu.memory_space<hbm>>
        tpu.enqueue_dma source(%dma_start3A_252 : memref<10000xf32, #tpu.memory_space<hbm>>) target(%dma_start3A_251 : memref<10000xf32, #tpu.memory_space<vmem>>) target_semaphore(%dma_start3A_250 : memref<!tpu.dma_semaphore, #tpu.memory_space<semaphore_mem>>)
        %dma_start3A_253 = tpu.memref_slice %arg5[%mul3A_242] : memref<30000xf32, #tpu.memory_space<vmem>> -> memref<10000xf32, #tpu.memory_space<vmem>>
        %dma_start3A_254 = tpu.memref_slice %arg2[%add3A_240] : memref<19200000xf32, #tpu.memory_space<hbm>> -> memref<10000xf32, #tpu.memory_space<hbm>>
        %dma_start3A_255 = tpu.memref_slice %arg7[%rem3A_151] : memref<3x!tpu.dma_semaphore, #tpu.memory_space<semaphore_mem>> -> memref<1x!tpu.dma_semaphore, #tpu.memory_space<semaphore_mem>>
        %dma_start3A_256 = tpu.memref_squeeze %dma_start3A_255 : memref<1x!tpu.dma_semaphore, #tpu.memory_space<semaphore_mem>> -> memref<!tpu.dma_semaphore, #tpu.memory_space<semaphore_mem>>
        %dma_start3A_257 = tpu.memref_slice %arg5[%mul3A_242] : memref<30000xf32, #tpu.memory_space<vmem>> -> memref<10000xf32, #tpu.memory_space<vmem>>
        %dma_start3A_258 = tpu.memref_slice %arg2[%add3A_240] : memref<19200000xf32, #tpu.memory_space<hbm>> -> memref<10000xf32, #tpu.memory_space<hbm>>
        tpu.enqueue_dma source(%dma_start3A_258 : memref<10000xf32, #tpu.memory_space<hbm>>) target(%dma_start3A_257 : memref<10000xf32, #tpu.memory_space<vmem>>) target_semaphore(%dma_start3A_256 : memref<!tpu.dma_semaphore, #tpu.memory_space<semaphore_mem>>)
        %dma_start3A_259 = tpu.memref_slice %arg6[%mul3A_246] : memref<30000xf32, #tpu.memory_space<vmem>> -> memref<10000xf32, #tpu.memory_space<vmem>>
        %dma_start3A_260 = tpu.memref_slice %arg2[%add3A_244] : memref<19200000xf32, #tpu.memory_space<hbm>> -> memref<10000xf32, #tpu.memory_space<hbm>>
        %dma_start3A_261 = tpu.memref_slice %arg7[%rem3A_151] : memref<3x!tpu.dma_semaphore, #tpu.memory_space<semaphore_mem>> -> memref<1x!tpu.dma_semaphore, #tpu.memory_space<semaphore_mem>>
        %dma_start3A_262 = tpu.memref_squeeze %dma_start3A_261 : memref<1x!tpu.dma_semaphore, #tpu.memory_space<semaphore_mem>> -> memref<!tpu.dma_semaphore, #tpu.memory_space<semaphore_mem>>
        %dma_start3A_263 = tpu.memref_slice %arg6[%mul3A_246] : memref<30000xf32, #tpu.memory_space<vmem>> -> memref<10000xf32, #tpu.memory_space<vmem>>
        %dma_start3A_264 = tpu.memref_slice %arg2[%add3A_244] : memref<19200000xf32, #tpu.memory_space<hbm>> -> memref<10000xf32, #tpu.memory_space<hbm>>
        tpu.enqueue_dma source(%dma_start3A_264 : memref<10000xf32, #tpu.memory_space<hbm>>) target(%dma_start3A_263 : memref<10000xf32, #tpu.memory_space<vmem>>) target_semaphore(%dma_start3A_262 : memref<!tpu.dma_semaphore, #tpu.memory_space<semaphore_mem>>)
      } else {
      }
      %mul3A_156 = arith.constant 10000 : i32
      %mul3A_157 = arith.muli %scan3A_146, %mul3A_156 : i32
      %add3A_158 = arith.addi %mul3A_2, %mul3A_157 : i32
      %add3A_159 = arith.constant 0 : i32
      %add3A_160 = arith.addi %add3A_159, %add3A_158 : i32
      %mul3A_161 = arith.constant 10000 : i32
      %mul3A_162 = arith.muli %rem3A_147, %mul3A_161 : i32
      %add3A_163 = arith.constant 6400000 : i32
      %add3A_164 = arith.addi %add3A_163, %add3A_158 : i32
      %mul3A_165 = arith.constant 10000 : i32
      %mul3A_166 = arith.muli %rem3A_147, %mul3A_165 : i32
      %add3A_167 = arith.constant 12800000 : i32
      %add3A_168 = arith.addi %add3A_167, %add3A_158 : i32
      %mul3A_169 = arith.constant 10000 : i32
      %mul3A_170 = arith.muli %rem3A_147, %mul3A_169 : i32
      %dma_wait3A_171 = tpu.memref_slice %arg4[%mul3A_162] : memref<30000xf32, #tpu.memory_space<vmem>> -> memref<10000xf32, #tpu.memory_space<vmem>>
      %dma_wait3A_172 = tpu.memref_slice %arg2[%add3A_160] : memref<19200000xf32, #tpu.memory_space<hbm>> -> memref<10000xf32, #tpu.memory_space<hbm>>
      %dma_wait3A_173 = tpu.memref_slice %arg7[%rem3A_147] : memref<3x!tpu.dma_semaphore, #tpu.memory_space<semaphore_mem>> -> memref<1x!tpu.dma_semaphore, #tpu.memory_space<semaphore_mem>>
      %dma_wait3A_174 = tpu.memref_squeeze %dma_wait3A_173 : memref<1x!tpu.dma_semaphore, #tpu.memory_space<semaphore_mem>> -> memref<!tpu.dma_semaphore, #tpu.memory_space<semaphore_mem>>
      %dma_wait3A_175 = tpu.memref_slice %arg4[%mul3A_162] : memref<30000xf32, #tpu.memory_space<vmem>> -> memref<10000xf32, #tpu.memory_space<vmem>>
      %dma_wait3A_176 = tpu.memref_slice %arg2[%add3A_160] : memref<19200000xf32, #tpu.memory_space<hbm>> -> memref<10000xf32, #tpu.memory_space<hbm>>
      tpu.wait_dma2 semaphore(%dma_wait3A_174 : memref<!tpu.dma_semaphore, #tpu.memory_space<semaphore_mem>>) src(%dma_wait3A_176 : memref<10000xf32, #tpu.memory_space<hbm>>) dst(%dma_wait3A_175 : memref<10000xf32, #tpu.memory_space<vmem>>)
      %dma_wait3A_177 = tpu.memref_slice %arg5[%mul3A_166] : memref<30000xf32, #tpu.memory_space<vmem>> -> memref<10000xf32, #tpu.memory_space<vmem>>
      %dma_wait3A_178 = tpu.memref_slice %arg2[%add3A_164] : memref<19200000xf32, #tpu.memory_space<hbm>> -> memref<10000xf32, #tpu.memory_space<hbm>>
      %dma_wait3A_179 = tpu.memref_slice %arg7[%rem3A_147] : memref<3x!tpu.dma_semaphore, #tpu.memory_space<semaphore_mem>> -> memref<1x!tpu.dma_semaphore, #tpu.memory_space<semaphore_mem>>
      %dma_wait3A_180 = tpu.memref_squeeze %dma_wait3A_179 : memref<1x!tpu.dma_semaphore, #tpu.memory_space<semaphore_mem>> -> memref<!tpu.dma_semaphore, #tpu.memory_space<semaphore_mem>>
      %dma_wait3A_181 = tpu.memref_slice %arg5[%mul3A_166] : memref<30000xf32, #tpu.memory_space<vmem>> -> memref<10000xf32, #tpu.memory_space<vmem>>
      %dma_wait3A_182 = tpu.memref_slice %arg2[%add3A_164] : memref<19200000xf32, #tpu.memory_space<hbm>> -> memref<10000xf32, #tpu.memory_space<hbm>>
      tpu.wait_dma2 semaphore(%dma_wait3A_180 : memref<!tpu.dma_semaphore, #tpu.memory_space<semaphore_mem>>) src(%dma_wait3A_182 : memref<10000xf32, #tpu.memory_space<hbm>>) dst(%dma_wait3A_181 : memref<10000xf32, #tpu.memory_space<vmem>>)
      %dma_wait3A_183 = tpu.memref_slice %arg6[%mul3A_170] : memref<30000xf32, #tpu.memory_space<vmem>> -> memref<10000xf32, #tpu.memory_space<vmem>>
      %dma_wait3A_184 = tpu.memref_slice %arg2[%add3A_168] : memref<19200000xf32, #tpu.memory_space<hbm>> -> memref<10000xf32, #tpu.memory_space<hbm>>
      %dma_wait3A_185 = tpu.memref_slice %arg7[%rem3A_147] : memref<3x!tpu.dma_semaphore, #tpu.memory_space<semaphore_mem>> -> memref<1x!tpu.dma_semaphore, #tpu.memory_space<semaphore_mem>>
      %dma_wait3A_186 = tpu.memref_squeeze %dma_wait3A_185 : memref<1x!tpu.dma_semaphore, #tpu.memory_space<semaphore_mem>> -> memref<!tpu.dma_semaphore, #tpu.memory_space<semaphore_mem>>
      %dma_wait3A_187 = tpu.memref_slice %arg6[%mul3A_170] : memref<30000xf32, #tpu.memory_space<vmem>> -> memref<10000xf32, #tpu.memory_space<vmem>>
      %dma_wait3A_188 = tpu.memref_slice %arg2[%add3A_168] : memref<19200000xf32, #tpu.memory_space<hbm>> -> memref<10000xf32, #tpu.memory_space<hbm>>
      tpu.wait_dma2 semaphore(%dma_wait3A_186 : memref<!tpu.dma_semaphore, #tpu.memory_space<semaphore_mem>>) src(%dma_wait3A_188 : memref<10000xf32, #tpu.memory_space<hbm>>) dst(%dma_wait3A_187 : memref<10000xf32, #tpu.memory_space<vmem>>)
      %mul3A_189 = arith.constant 10000 : i32
      %mul3A_190 = arith.muli %rem3A_147, %mul3A_189 : i32
      %parallel_loop3A = arith.constant 0 : i32
      %parallel_loop3A_191 = arith.constant 10000 : i32
      %parallel_loop3A_192 = arith.constant 16 : i32
      scf.for %parallel_loop3A_226 = %parallel_loop3A to %parallel_loop3A_191 step %parallel_loop3A_192  : i32 {
        %parallel_loop3A_227 = arith.addi %mul3A_190, %parallel_loop3A_226 : i32
        %parallel_loop3A_228 = arith.index_cast %parallel_loop3A_227 : i32 to index
        %parallel_loop3A_229 = tpu.vector_load %arg4[%parallel_loop3A_228] {strides = array<i32>} : memref<30000xf32, #tpu.memory_space<vmem>>, vector<16xf32>,
        %parallel_loop3A_230 = arith.index_cast %parallel_loop3A_227 : i32 to index
        %parallel_loop3A_231 = tpu.vector_load %arg5[%parallel_loop3A_230] {strides = array<i32>} : memref<30000xf32, #tpu.memory_space<vmem>>, vector<16xf32>,
        %parallel_loop3A_232 = arith.index_cast %parallel_loop3A_227 : i32 to index
        %parallel_loop3A_233 = tpu.vector_load %arg6[%parallel_loop3A_232] {strides = array<i32>} : memref<30000xf32, #tpu.memory_space<vmem>>, vector<16xf32>,
        %parallel_loop3A_234 = arith.constant -0.166666657 : f32
        %parallel_loop3A_235 = vector.broadcast %parallel_loop3A_234 : f32 to vector<16xf32>
        %parallel_loop3A_236 = arith.cmpf ole, %parallel_loop3A_233, %parallel_loop3A_235 : vector<16xf32>
        %parallel_loop3A_237 = arith.constant 0.166666687 : f32
        %parallel_loop3A_238 = vector.broadcast %parallel_loop3A_237 : f32 to vector<16xf32>
        %parallel_loop3A_239 = arith.cmpf ole, %parallel_loop3A_233, %parallel_loop3A_238 : vector<16xf32>
        %parallel_loop3A_240 = arith.constant 1.200000e+01 : f32
        %parallel_loop3A_241 = arith.constant 6.000000e+00 : f32
        %parallel_loop3A_242 = vector.broadcast %parallel_loop3A_240 : f32 to vector<16xf32>
        %parallel_loop3A_243 = vector.broadcast %parallel_loop3A_241 : f32 to vector<16xf32>
        %parallel_loop3A_244 = arith.select %parallel_loop3A_239, %parallel_loop3A_242, %parallel_loop3A_243 : vector<16xi1>, vector<16xf32>
        %parallel_loop3A_245 = arith.constant 9.600000e+01 : f32
        %parallel_loop3A_246 = vector.broadcast %parallel_loop3A_245 : f32 to vector<16xf32>
        %parallel_loop3A_247 = arith.select %parallel_loop3A_236, %parallel_loop3A_246, %parallel_loop3A_244 : vector<16xi1>, vector<16xf32>
        %parallel_loop3A_248 = arith.constant 0.0833333358 : f32
        %parallel_loop3A_249 = arith.constant 0.166666672 : f32
        %parallel_loop3A_250 = vector.broadcast %parallel_loop3A_248 : f32 to vector<16xf32>
        %parallel_loop3A_251 = vector.broadcast %parallel_loop3A_249 : f32 to vector<16xf32>
        %parallel_loop3A_252 = arith.select %parallel_loop3A_239, %parallel_loop3A_250, %parallel_loop3A_251 : vector<16xi1>, vector<16xf32>
        %parallel_loop3A_253 = arith.constant 0.010416667 : f32
        %parallel_loop3A_254 = vector.broadcast %parallel_loop3A_253 : f32 to vector<16xf32>
        %parallel_loop3A_255 = arith.select %parallel_loop3A_236, %parallel_loop3A_254, %parallel_loop3A_252 : vector<16xi1>, vector<16xf32>
        %parallel_loop3A_256 = arith.constant 3.000000e+00 : f32
        %parallel_loop3A_257 = arith.constant 1.200000e+01 : f32
        %parallel_loop3A_258 = vector.broadcast %parallel_loop3A_256 : f32 to vector<16xf32>
        %parallel_loop3A_259 = vector.broadcast %parallel_loop3A_257 : f32 to vector<16xf32>
        %parallel_loop3A_260 = arith.select %parallel_loop3A_236, %parallel_loop3A_258, %parallel_loop3A_259 : vector<16xi1>, vector<16xf32>
        %parallel_loop3A_261 = arith.constant 0.333333343 : f32
        %parallel_loop3A_262 = arith.constant 0.0833333358 : f32
        %parallel_loop3A_263 = vector.broadcast %parallel_loop3A_261 : f32 to vector<16xf32>
        %parallel_loop3A_264 = vector.broadcast %parallel_loop3A_262 : f32 to vector<16xf32>
        %parallel_loop3A_265 = arith.select %parallel_loop3A_236, %parallel_loop3A_263, %parallel_loop3A_264 : vector<16xi1>, vector<16xf32>
        %parallel_loop3A_266 = arith.constant 5.000000e-01 : f32
        %parallel_loop3A_267 = vector.broadcast %parallel_loop3A_266 : f32 to vector<16xf32>
        %parallel_loop3A_268 = arith.addf %parallel_loop3A_229, %parallel_loop3A_267 : vector<16xf32>
        %parallel_loop3A_269 = arith.mulf %parallel_loop3A_268, %parallel_loop3A_247 : vector<16xf32>
        %parallel_loop3A_270 = arith.constant 1.000000e+00 : f32
        %parallel_loop3A_271 = vector.broadcast %parallel_loop3A_270 : f32 to vector<16xf32>
        %parallel_loop3A_272 = arith.subf %parallel_loop3A_247, %parallel_loop3A_271 : vector<16xf32>
        %parallel_loop3A_273 = arith.constant 0.000000e+00 : f32
        %parallel_loop3A_274 = vector.broadcast %parallel_loop3A_273 : f32 to vector<16xf32>
        %parallel_loop3A_275 = arith.maximumf %parallel_loop3A_274, %parallel_loop3A_269 : vector<16xf32>
        %parallel_loop3A_276 = arith.minimumf %parallel_loop3A_272, %parallel_loop3A_275 : vector<16xf32>
        %parallel_loop3A_277 = arith.fptosi %parallel_loop3A_276 : vector<16xf32> to vector<16xi32>
        %parallel_loop3A_278 = arith.sitofp %parallel_loop3A_277 : vector<16xi32> to vector<16xf32>
        %parallel_loop3A_279 = arith.constant 5.000000e-01 : f32
        %parallel_loop3A_280 = vector.broadcast %parallel_loop3A_279 : f32 to vector<16xf32>
        %parallel_loop3A_281 = arith.addf %parallel_loop3A_278, %parallel_loop3A_280 : vector<16xf32>
        %parallel_loop3A_282 = arith.mulf %parallel_loop3A_281, %parallel_loop3A_255 : vector<16xf32>
        %parallel_loop3A_283 = arith.constant 5.000000e-01 : f32
        %parallel_loop3A_284 = vector.broadcast %parallel_loop3A_283 : f32 to vector<16xf32>
        %parallel_loop3A_285 = arith.subf %parallel_loop3A_282, %parallel_loop3A_284 : vector<16xf32>
        %parallel_loop3A_286 = arith.index_cast %parallel_loop3A_227 : i32 to index
        %parallel_loop3A_287 = tpu.vector_load %arg4[%parallel_loop3A_286] {strides = array<i32>} : memref<30000xf32, #tpu.memory_space<vmem>>, vector<16xf32>,
        tpu.vector_store %arg4[%parallel_loop3A_286], %parallel_loop3A_285 {strides = array<i32>} : memref<30000xf32, #tpu.memory_space<vmem>>, vector<16xf32>,
        %parallel_loop3A_288 = arith.constant 5.000000e-01 : f32
        %parallel_loop3A_289 = vector.broadcast %parallel_loop3A_288 : f32 to vector<16xf32>
        %parallel_loop3A_290 = arith.addf %parallel_loop3A_231, %parallel_loop3A_289 : vector<16xf32>
        %parallel_loop3A_291 = arith.mulf %parallel_loop3A_290, %parallel_loop3A_260 : vector<16xf32>
        %parallel_loop3A_292 = arith.constant 1.000000e+00 : f32
        %parallel_loop3A_293 = vector.broadcast %parallel_loop3A_292 : f32 to vector<16xf32>
        %parallel_loop3A_294 = arith.subf %parallel_loop3A_260, %parallel_loop3A_293 : vector<16xf32>
        %parallel_loop3A_295 = arith.constant 0.000000e+00 : f32
        %parallel_loop3A_296 = vector.broadcast %parallel_loop3A_295 : f32 to vector<16xf32>
        %parallel_loop3A_297 = arith.maximumf %parallel_loop3A_296, %parallel_loop3A_291 : vector<16xf32>
        %parallel_loop3A_298 = arith.minimumf %parallel_loop3A_294, %parallel_loop3A_297 : vector<16xf32>
        %parallel_loop3A_299 = arith.fptosi %parallel_loop3A_298 : vector<16xf32> to vector<16xi32>
        %parallel_loop3A_300 = arith.sitofp %parallel_loop3A_299 : vector<16xi32> to vector<16xf32>
        %parallel_loop3A_301 = arith.constant 5.000000e-01 : f32
        %parallel_loop3A_302 = vector.broadcast %parallel_loop3A_301 : f32 to vector<16xf32>
        %parallel_loop3A_303 = arith.addf %parallel_loop3A_300, %parallel_loop3A_302 : vector<16xf32>
        %parallel_loop3A_304 = arith.mulf %parallel_loop3A_303, %parallel_loop3A_265 : vector<16xf32>
        %parallel_loop3A_305 = arith.constant 5.000000e-01 : f32
        %parallel_loop3A_306 = vector.broadcast %parallel_loop3A_305 : f32 to vector<16xf32>
        %parallel_loop3A_307 = arith.subf %parallel_loop3A_304, %parallel_loop3A_306 : vector<16xf32>
        %parallel_loop3A_308 = arith.index_cast %parallel_loop3A_227 : i32 to index
        %parallel_loop3A_309 = tpu.vector_load %arg5[%parallel_loop3A_308] {strides = array<i32>} : memref<30000xf32, #tpu.memory_space<vmem>>, vector<16xf32>,
        tpu.vector_store %arg5[%parallel_loop3A_308], %parallel_loop3A_307 {strides = array<i32>} : memref<30000xf32, #tpu.memory_space<vmem>>, vector<16xf32>,
        %parallel_loop3A_310 = arith.constant 0.000000e+00 : f32
        %parallel_loop3A_311 = arith.constant 3.333000e-01 : f32
        %parallel_loop3A_312 = vector.broadcast %parallel_loop3A_310 : f32 to vector<16xf32>
        %parallel_loop3A_313 = vector.broadcast %parallel_loop3A_311 : f32 to vector<16xf32>
        %parallel_loop3A_314 = arith.select %parallel_loop3A_239, %parallel_loop3A_312, %parallel_loop3A_313 : vector<16xi1>, vector<16xf32>
        %parallel_loop3A_315 = arith.constant -3.333000e-01 : f32
        %parallel_loop3A_316 = vector.broadcast %parallel_loop3A_315 : f32 to vector<16xf32>
        %parallel_loop3A_317 = arith.select %parallel_loop3A_236, %parallel_loop3A_316, %parallel_loop3A_314 : vector<16xi1>, vector<16xf32>
        %parallel_loop3A_318 = arith.index_cast %parallel_loop3A_227 : i32 to index
        %parallel_loop3A_319 = tpu.vector_load %arg6[%parallel_loop3A_318] {strides = array<i32>} : memref<30000xf32, #tpu.memory_space<vmem>>, vector<16xf32>,
        tpu.vector_store %arg6[%parallel_loop3A_318], %parallel_loop3A_317 {strides = array<i32>} : memref<30000xf32, #tpu.memory_space<vmem>>, vector<16xf32>,
      } {sc.loop_unroll_factor = 2 : i64, sc.parallel_access}
      %mul3A_193 = arith.constant 10000 : i32
      %mul3A_194 = arith.muli %scan3A_146, %mul3A_193 : i32
      %add3A_195 = arith.addi %mul3A_2, %mul3A_194 : i32
      %mul3A_196 = arith.constant 10000 : i32
      %mul3A_197 = arith.muli %rem3A_147, %mul3A_196 : i32
      %add3A_198 = arith.constant 0 : i32
      %add3A_199 = arith.addi %add3A_198, %add3A_195 : i32
      %mul3A_200 = arith.constant 10000 : i32
      %mul3A_201 = arith.muli %rem3A_147, %mul3A_200 : i32
      %add3A_202 = arith.constant 6400000 : i32
      %add3A_203 = arith.addi %add3A_202, %add3A_195 : i32
      %mul3A_204 = arith.constant 10000 : i32
      %mul3A_205 = arith.muli %rem3A_147, %mul3A_204 : i32
      %add3A_206 = arith.constant 12800000 : i32
      %add3A_207 = arith.addi %add3A_206, %add3A_195 : i32
      %dma_start3A_208 = tpu.memref_slice %arg4[%mul3A_197] : memref<30000xf32, #tpu.memory_space<vmem>> -> memref<10000xf32, #tpu.memory_space<vmem>>
      %dma_start3A_209 = tpu.memref_slice %arg3[%add3A_199] : memref<19200000xf32, #tpu.memory_space<hbm>> -> memref<10000xf32, #tpu.memory_space<hbm>>
      %dma_start3A_210 = tpu.memref_slice %arg8[%rem3A_147] : memref<3x!tpu.dma_semaphore, #tpu.memory_space<semaphore_mem>> -> memref<1x!tpu.dma_semaphore, #tpu.memory_space<semaphore_mem>>
      %dma_start3A_211 = tpu.memref_squeeze %dma_start3A_210 : memref<1x!tpu.dma_semaphore, #tpu.memory_space<semaphore_mem>> -> memref<!tpu.dma_semaphore, #tpu.memory_space<semaphore_mem>>
      %dma_start3A_212 = tpu.memref_slice %arg3[%add3A_199] : memref<19200000xf32, #tpu.memory_space<hbm>> -> memref<10000xf32, #tpu.memory_space<hbm>>
      %dma_start3A_213 = tpu.memref_slice %arg4[%mul3A_197] : memref<30000xf32, #tpu.memory_space<vmem>> -> memref<10000xf32, #tpu.memory_space<vmem>>
      tpu.enqueue_dma source(%dma_start3A_213 : memref<10000xf32, #tpu.memory_space<vmem>>) target(%dma_start3A_212 : memref<10000xf32, #tpu.memory_space<hbm>>) target_semaphore(%dma_start3A_211 : memref<!tpu.dma_semaphore, #tpu.memory_space<semaphore_mem>>)
      %dma_start3A_214 = tpu.memref_slice %arg5[%mul3A_201] : memref<30000xf32, #tpu.memory_space<vmem>> -> memref<10000xf32, #tpu.memory_space<vmem>>
      %dma_start3A_215 = tpu.memref_slice %arg3[%add3A_203] : memref<19200000xf32, #tpu.memory_space<hbm>> -> memref<10000xf32, #tpu.memory_space<hbm>>
      %dma_start3A_216 = tpu.memref_slice %arg8[%rem3A_147] : memref<3x!tpu.dma_semaphore, #tpu.memory_space<semaphore_mem>> -> memref<1x!tpu.dma_semaphore, #tpu.memory_space<semaphore_mem>>
      %dma_start3A_217 = tpu.memref_squeeze %dma_start3A_216 : memref<1x!tpu.dma_semaphore, #tpu.memory_space<semaphore_mem>> -> memref<!tpu.dma_semaphore, #tpu.memory_space<semaphore_mem>>
      %dma_start3A_218 = tpu.memref_slice %arg3[%add3A_203] : memref<19200000xf32, #tpu.memory_space<hbm>> -> memref<10000xf32, #tpu.memory_space<hbm>>
      %dma_start3A_219 = tpu.memref_slice %arg5[%mul3A_201] : memref<30000xf32, #tpu.memory_space<vmem>> -> memref<10000xf32, #tpu.memory_space<vmem>>
      tpu.enqueue_dma source(%dma_start3A_219 : memref<10000xf32, #tpu.memory_space<vmem>>) target(%dma_start3A_218 : memref<10000xf32, #tpu.memory_space<hbm>>) target_semaphore(%dma_start3A_217 : memref<!tpu.dma_semaphore, #tpu.memory_space<semaphore_mem>>)
      %dma_start3A_220 = tpu.memref_slice %arg6[%mul3A_205] : memref<30000xf32, #tpu.memory_space<vmem>> -> memref<10000xf32, #tpu.memory_space<vmem>>
      %dma_start3A_221 = tpu.memref_slice %arg3[%add3A_207] : memref<19200000xf32, #tpu.memory_space<hbm>> -> memref<10000xf32, #tpu.memory_space<hbm>>
      %dma_start3A_222 = tpu.memref_slice %arg8[%rem3A_147] : memref<3x!tpu.dma_semaphore, #tpu.memory_space<semaphore_mem>> -> memref<1x!tpu.dma_semaphore, #tpu.memory_space<semaphore_mem>>
      %dma_start3A_223 = tpu.memref_squeeze %dma_start3A_222 : memref<1x!tpu.dma_semaphore, #tpu.memory_space<semaphore_mem>> -> memref<!tpu.dma_semaphore, #tpu.memory_space<semaphore_mem>>
      %dma_start3A_224 = tpu.memref_slice %arg3[%add3A_207] : memref<19200000xf32, #tpu.memory_space<hbm>> -> memref<10000xf32, #tpu.memory_space<hbm>>
      %dma_start3A_225 = tpu.memref_slice %arg6[%mul3A_205] : memref<30000xf32, #tpu.memory_space<vmem>> -> memref<10000xf32, #tpu.memory_space<vmem>>
      tpu.enqueue_dma source(%dma_start3A_225 : memref<10000xf32, #tpu.memory_space<vmem>>) target(%dma_start3A_224 : memref<10000xf32, #tpu.memory_space<hbm>>) target_semaphore(%dma_start3A_223 : memref<!tpu.dma_semaphore, #tpu.memory_space<semaphore_mem>>)
    }
    %scan3A_41 = arith.constant 20 : i32
    %add3A_42 = arith.constant 170000 : i32
    %add3A_43 = arith.addi %mul3A_2, %add3A_42 : i32
    %add3A_44 = arith.constant 0 : i32
    %add3A_45 = arith.addi %add3A_44, %add3A_43 : i32
    %add3A_46 = arith.constant 6400000 : i32
    %add3A_47 = arith.addi %add3A_46, %add3A_43 : i32
    %add3A_48 = arith.constant 12800000 : i32
    %add3A_49 = arith.addi %add3A_48, %add3A_43 : i32
    %dma_wait3A = arith.constant 2 : i32
    %dma_wait3A_50 = arith.constant 20000 : i32
    %dma_wait3A_51 = tpu.memref_slice %arg4[%dma_wait3A_50] : memref<30000xf32, #tpu.memory_space<vmem>> -> memref<10000xf32, #tpu.memory_space<vmem>>
    %dma_wait3A_52 = tpu.memref_slice %arg3[%add3A_45] : memref<19200000xf32, #tpu.memory_space<hbm>> -> memref<10000xf32, #tpu.memory_space<hbm>>
    %dma_wait3A_53 = tpu.memref_slice %arg8[%dma_wait3A] : memref<3x!tpu.dma_semaphore, #tpu.memory_space<semaphore_mem>> -> memref<1x!tpu.dma_semaphore, #tpu.memory_space<semaphore_mem>>
    %dma_wait3A_54 = tpu.memref_squeeze %dma_wait3A_53 : memref<1x!tpu.dma_semaphore, #tpu.memory_space<semaphore_mem>> -> memref<!tpu.dma_semaphore, #tpu.memory_space<semaphore_mem>>
    %dma_wait3A_55 = tpu.memref_slice %arg3[%add3A_45] : memref<19200000xf32, #tpu.memory_space<hbm>> -> memref<10000xf32, #tpu.memory_space<hbm>>
    %dma_wait3A_56 = arith.constant 20000 : i32
    %dma_wait3A_57 = tpu.memref_slice %arg4[%dma_wait3A_56] : memref<30000xf32, #tpu.memory_space<vmem>> -> memref<10000xf32, #tpu.memory_space<vmem>>
    tpu.wait_dma2 semaphore(%dma_wait3A_54 : memref<!tpu.dma_semaphore, #tpu.memory_space<semaphore_mem>>) src(%dma_wait3A_57 : memref<10000xf32, #tpu.memory_space<vmem>>) dst(%dma_wait3A_55 : memref<10000xf32, #tpu.memory_space<hbm>>)
    %dma_wait3A_58 = arith.constant 2 : i32
    %dma_wait3A_59 = arith.constant 20000 : i32
    %dma_wait3A_60 = tpu.memref_slice %arg5[%dma_wait3A_59] : memref<30000xf32, #tpu.memory_space<vmem>> -> memref<10000xf32, #tpu.memory_space<vmem>>
    %dma_wait3A_61 = tpu.memref_slice %arg3[%add3A_47] : memref<19200000xf32, #tpu.memory_space<hbm>> -> memref<10000xf32, #tpu.memory_space<hbm>>
    %dma_wait3A_62 = tpu.memref_slice %arg8[%dma_wait3A_58] : memref<3x!tpu.dma_semaphore, #tpu.memory_space<semaphore_mem>> -> memref<1x!tpu.dma_semaphore, #tpu.memory_space<semaphore_mem>>
    %dma_wait3A_63 = tpu.memref_squeeze %dma_wait3A_62 : memref<1x!tpu.dma_semaphore, #tpu.memory_space<semaphore_mem>> -> memref<!tpu.dma_semaphore, #tpu.memory_space<semaphore_mem>>
    %dma_wait3A_64 = tpu.memref_slice %arg3[%add3A_47] : memref<19200000xf32, #tpu.memory_space<hbm>> -> memref<10000xf32, #tpu.memory_space<hbm>>
    %dma_wait3A_65 = arith.constant 20000 : i32
    %dma_wait3A_66 = tpu.memref_slice %arg5[%dma_wait3A_65] : memref<30000xf32, #tpu.memory_space<vmem>> -> memref<10000xf32, #tpu.memory_space<vmem>>
    tpu.wait_dma2 semaphore(%dma_wait3A_63 : memref<!tpu.dma_semaphore, #tpu.memory_space<semaphore_mem>>) src(%dma_wait3A_66 : memref<10000xf32, #tpu.memory_space<vmem>>) dst(%dma_wait3A_64 : memref<10000xf32, #tpu.memory_space<hbm>>)
    %dma_wait3A_67 = arith.constant 2 : i32
    %dma_wait3A_68 = arith.constant 20000 : i32
    %dma_wait3A_69 = tpu.memref_slice %arg6[%dma_wait3A_68] : memref<30000xf32, #tpu.memory_space<vmem>> -> memref<10000xf32, #tpu.memory_space<vmem>>
    %dma_wait3A_70 = tpu.memref_slice %arg3[%add3A_49] : memref<19200000xf32, #tpu.memory_space<hbm>> -> memref<10000xf32, #tpu.memory_space<hbm>>
    %dma_wait3A_71 = tpu.memref_slice %arg8[%dma_wait3A_67] : memref<3x!tpu.dma_semaphore, #tpu.memory_space<semaphore_mem>> -> memref<1x!tpu.dma_semaphore, #tpu.memory_space<semaphore_mem>>
    %dma_wait3A_72 = tpu.memref_squeeze %dma_wait3A_71 : memref<1x!tpu.dma_semaphore, #tpu.memory_space<semaphore_mem>> -> memref<!tpu.dma_semaphore, #tpu.memory_space<semaphore_mem>>
    %dma_wait3A_73 = tpu.memref_slice %arg3[%add3A_49] : memref<19200000xf32, #tpu.memory_space<hbm>> -> memref<10000xf32, #tpu.memory_space<hbm>>
    %dma_wait3A_74 = arith.constant 20000 : i32
    %dma_wait3A_75 = tpu.memref_slice %arg6[%dma_wait3A_74] : memref<30000xf32, #tpu.memory_space<vmem>> -> memref<10000xf32, #tpu.memory_space<vmem>>
    tpu.wait_dma2 semaphore(%dma_wait3A_72 : memref<!tpu.dma_semaphore, #tpu.memory_space<semaphore_mem>>) src(%dma_wait3A_75 : memref<10000xf32, #tpu.memory_space<vmem>>) dst(%dma_wait3A_73 : memref<10000xf32, #tpu.memory_space<hbm>>)
    %add3A_76 = arith.constant 180000 : i32
    %add3A_77 = arith.addi %mul3A_2, %add3A_76 : i32
    %add3A_78 = arith.constant 0 : i32
    %add3A_79 = arith.addi %add3A_78, %add3A_77 : i32
    %add3A_80 = arith.constant 6400000 : i32
    %add3A_81 = arith.addi %add3A_80, %add3A_77 : i32
    %add3A_82 = arith.constant 12800000 : i32
    %add3A_83 = arith.addi %add3A_82, %add3A_77 : i32
    %dma_wait3A_84 = arith.constant 0 : i32
    %dma_wait3A_85 = arith.constant 0 : i32
    %dma_wait3A_86 = tpu.memref_slice %arg4[%dma_wait3A_85] : memref<30000xf32, #tpu.memory_space<vmem>> -> memref<10000xf32, #tpu.memory_space<vmem>>
    %dma_wait3A_87 = tpu.memref_slice %arg3[%add3A_79] : memref<19200000xf32, #tpu.memory_space<hbm>> -> memref<10000xf32, #tpu.memory_space<hbm>>
    %dma_wait3A_88 = tpu.memref_slice %arg8[%dma_wait3A_84] : memref<3x!tpu.dma_semaphore, #tpu.memory_space<semaphore_mem>> -> memref<1x!tpu.dma_semaphore, #tpu.memory_space<semaphore_mem>>
    %dma_wait3A_89 = tpu.memref_squeeze %dma_wait3A_88 : memref<1x!tpu.dma_semaphore, #tpu.memory_space<semaphore_mem>> -> memref<!tpu.dma_semaphore, #tpu.memory_space<semaphore_mem>>
    %dma_wait3A_90 = tpu.memref_slice %arg3[%add3A_79] : memref<19200000xf32, #tpu.memory_space<hbm>> -> memref<10000xf32, #tpu.memory_space<hbm>>
    %dma_wait3A_91 = arith.constant 0 : i32
    %dma_wait3A_92 = tpu.memref_slice %arg4[%dma_wait3A_91] : memref<30000xf32, #tpu.memory_space<vmem>> -> memref<10000xf32, #tpu.memory_space<vmem>>
    tpu.wait_dma2 semaphore(%dma_wait3A_89 : memref<!tpu.dma_semaphore, #tpu.memory_space<semaphore_mem>>) src(%dma_wait3A_92 : memref<10000xf32, #tpu.memory_space<vmem>>) dst(%dma_wait3A_90 : memref<10000xf32, #tpu.memory_space<hbm>>)
    %dma_wait3A_93 = arith.constant 0 : i32
    %dma_wait3A_94 = arith.constant 0 : i32
    %dma_wait3A_95 = tpu.memref_slice %arg5[%dma_wait3A_94] : memref<30000xf32, #tpu.memory_space<vmem>> -> memref<10000xf32, #tpu.memory_space<vmem>>
    %dma_wait3A_96 = tpu.memref_slice %arg3[%add3A_81] : memref<19200000xf32, #tpu.memory_space<hbm>> -> memref<10000xf32, #tpu.memory_space<hbm>>
    %dma_wait3A_97 = tpu.memref_slice %arg8[%dma_wait3A_93] : memref<3x!tpu.dma_semaphore, #tpu.memory_space<semaphore_mem>> -> memref<1x!tpu.dma_semaphore, #tpu.memory_space<semaphore_mem>>
    %dma_wait3A_98 = tpu.memref_squeeze %dma_wait3A_97 : memref<1x!tpu.dma_semaphore, #tpu.memory_space<semaphore_mem>> -> memref<!tpu.dma_semaphore, #tpu.memory_space<semaphore_mem>>
    %dma_wait3A_99 = tpu.memref_slice %arg3[%add3A_81] : memref<19200000xf32, #tpu.memory_space<hbm>> -> memref<10000xf32, #tpu.memory_space<hbm>>
    %dma_wait3A_100 = arith.constant 0 : i32
    %dma_wait3A_101 = tpu.memref_slice %arg5[%dma_wait3A_100] : memref<30000xf32, #tpu.memory_space<vmem>> -> memref<10000xf32, #tpu.memory_space<vmem>>
    tpu.wait_dma2 semaphore(%dma_wait3A_98 : memref<!tpu.dma_semaphore, #tpu.memory_space<semaphore_mem>>) src(%dma_wait3A_101 : memref<10000xf32, #tpu.memory_space<vmem>>) dst(%dma_wait3A_99 : memref<10000xf32, #tpu.memory_space<hbm>>)
    %dma_wait3A_102 = arith.constant 0 : i32
    %dma_wait3A_103 = arith.constant 0 : i32
    %dma_wait3A_104 = tpu.memref_slice %arg6[%dma_wait3A_103] : memref<30000xf32, #tpu.memory_space<vmem>> -> memref<10000xf32, #tpu.memory_space<vmem>>
    %dma_wait3A_105 = tpu.memref_slice %arg3[%add3A_83] : memref<19200000xf32, #tpu.memory_space<hbm>> -> memref<10000xf32, #tpu.memory_space<hbm>>
    %dma_wait3A_106 = tpu.memref_slice %arg8[%dma_wait3A_102] : memref<3x!tpu.dma_semaphore, #tpu.memory_space<semaphore_mem>> -> memref<1x!tpu.dma_semaphore, #tpu.memory_space<semaphore_mem>>
    %dma_wait3A_107 = tpu.memref_squeeze %dma_wait3A_106 : memref<1x!tpu.dma_semaphore, #tpu.memory_space<semaphore_mem>> -> memref<!tpu.dma_semaphore, #tpu.memory_space<semaphore_mem>>
    %dma_wait3A_108 = tpu.memref_slice %arg3[%add3A_83] : memref<19200000xf32, #tpu.memory_space<hbm>> -> memref<10000xf32, #tpu.memory_space<hbm>>
    %dma_wait3A_109 = arith.constant 0 : i32
    %dma_wait3A_110 = tpu.memref_slice %arg6[%dma_wait3A_109] : memref<30000xf32, #tpu.memory_space<vmem>> -> memref<10000xf32, #tpu.memory_space<vmem>>
    tpu.wait_dma2 semaphore(%dma_wait3A_107 : memref<!tpu.dma_semaphore, #tpu.memory_space<semaphore_mem>>) src(%dma_wait3A_110 : memref<10000xf32, #tpu.memory_space<vmem>>) dst(%dma_wait3A_108 : memref<10000xf32, #tpu.memory_space<hbm>>)
    %add3A_111 = arith.constant 190000 : i32
    %add3A_112 = arith.addi %mul3A_2, %add3A_111 : i32
    %add3A_113 = arith.constant 0 : i32
    %add3A_114 = arith.addi %add3A_113, %add3A_112 : i32
    %add3A_115 = arith.constant 6400000 : i32
    %add3A_116 = arith.addi %add3A_115, %add3A_112 : i32
    %add3A_117 = arith.constant 12800000 : i32
    %add3A_118 = arith.addi %add3A_117, %add3A_112 : i32
    %dma_wait3A_119 = arith.constant 1 : i32
    %dma_wait3A_120 = arith.constant 10000 : i32
    %dma_wait3A_121 = tpu.memref_slice %arg4[%dma_wait3A_120] : memref<30000xf32, #tpu.memory_space<vmem>> -> memref<10000xf32, #tpu.memory_space<vmem>>
    %dma_wait3A_122 = tpu.memref_slice %arg3[%add3A_114] : memref<19200000xf32, #tpu.memory_space<hbm>> -> memref<10000xf32, #tpu.memory_space<hbm>>
    %dma_wait3A_123 = tpu.memref_slice %arg8[%dma_wait3A_119] : memref<3x!tpu.dma_semaphore, #tpu.memory_space<semaphore_mem>> -> memref<1x!tpu.dma_semaphore, #tpu.memory_space<semaphore_mem>>
    %dma_wait3A_124 = tpu.memref_squeeze %dma_wait3A_123 : memref<1x!tpu.dma_semaphore, #tpu.memory_space<semaphore_mem>> -> memref<!tpu.dma_semaphore, #tpu.memory_space<semaphore_mem>>
    %dma_wait3A_125 = tpu.memref_slice %arg3[%add3A_114] : memref<19200000xf32, #tpu.memory_space<hbm>> -> memref<10000xf32, #tpu.memory_space<hbm>>
    %dma_wait3A_126 = arith.constant 10000 : i32
    %dma_wait3A_127 = tpu.memref_slice %arg4[%dma_wait3A_126] : memref<30000xf32, #tpu.memory_space<vmem>> -> memref<10000xf32, #tpu.memory_space<vmem>>
    tpu.wait_dma2 semaphore(%dma_wait3A_124 : memref<!tpu.dma_semaphore, #tpu.memory_space<semaphore_mem>>) src(%dma_wait3A_127 : memref<10000xf32, #tpu.memory_space<vmem>>) dst(%dma_wait3A_125 : memref<10000xf32, #tpu.memory_space<hbm>>)
    %dma_wait3A_128 = arith.constant 1 : i32
    %dma_wait3A_129 = arith.constant 10000 : i32
    %dma_wait3A_130 = tpu.memref_slice %arg5[%dma_wait3A_129] : memref<30000xf32, #tpu.memory_space<vmem>> -> memref<10000xf32, #tpu.memory_space<vmem>>
    %dma_wait3A_131 = tpu.memref_slice %arg3[%add3A_116] : memref<19200000xf32, #tpu.memory_space<hbm>> -> memref<10000xf32, #tpu.memory_space<hbm>>
    %dma_wait3A_132 = tpu.memref_slice %arg8[%dma_wait3A_128] : memref<3x!tpu.dma_semaphore, #tpu.memory_space<semaphore_mem>> -> memref<1x!tpu.dma_semaphore, #tpu.memory_space<semaphore_mem>>
    %dma_wait3A_133 = tpu.memref_squeeze %dma_wait3A_132 : memref<1x!tpu.dma_semaphore, #tpu.memory_space<semaphore_mem>> -> memref<!tpu.dma_semaphore, #tpu.memory_space<semaphore_mem>>
    %dma_wait3A_134 = tpu.memref_slice %arg3[%add3A_116] : memref<19200000xf32, #tpu.memory_space<hbm>> -> memref<10000xf32, #tpu.memory_space<hbm>>
    %dma_wait3A_135 = arith.constant 10000 : i32
    %dma_wait3A_136 = tpu.memref_slice %arg5[%dma_wait3A_135] : memref<30000xf32, #tpu.memory_space<vmem>> -> memref<10000xf32, #tpu.memory_space<vmem>>
    tpu.wait_dma2 semaphore(%dma_wait3A_133 : memref<!tpu.dma_semaphore, #tpu.memory_space<semaphore_mem>>) src(%dma_wait3A_136 : memref<10000xf32, #tpu.memory_space<vmem>>) dst(%dma_wait3A_134 : memref<10000xf32, #tpu.memory_space<hbm>>)
    %dma_wait3A_137 = arith.constant 1 : i32
    %dma_wait3A_138 = arith.constant 10000 : i32
    %dma_wait3A_139 = tpu.memref_slice %arg6[%dma_wait3A_138] : memref<30000xf32, #tpu.memory_space<vmem>> -> memref<10000xf32, #tpu.memory_space<vmem>>
    %dma_wait3A_140 = tpu.memref_slice %arg3[%add3A_118] : memref<19200000xf32, #tpu.memory_space<hbm>> -> memref<10000xf32, #tpu.memory_space<hbm>>
    %dma_wait3A_141 = tpu.memref_slice %arg8[%dma_wait3A_137] : memref<3x!tpu.dma_semaphore, #tpu.memory_space<semaphore_mem>> -> memref<1x!tpu.dma_semaphore, #tpu.memory_space<semaphore_mem>>
    %dma_wait3A_142 = tpu.memref_squeeze %dma_wait3A_141 : memref<1x!tpu.dma_semaphore, #tpu.memory_space<semaphore_mem>> -> memref<!tpu.dma_semaphore, #tpu.memory_space<semaphore_mem>>
    %dma_wait3A_143 = tpu.memref_slice %arg3[%add3A_118] : memref<19200000xf32, #tpu.memory_space<hbm>> -> memref<10000xf32, #tpu.memory_space<hbm>>
    %dma_wait3A_144 = arith.constant 10000 : i32
    %dma_wait3A_145 = tpu.memref_slice %arg6[%dma_wait3A_144] : memref<30000xf32, #tpu.memory_space<vmem>> -> memref<10000xf32, #tpu.memory_space<vmem>>
    tpu.wait_dma2 semaphore(%dma_wait3A_142 : memref<!tpu.dma_semaphore, #tpu.memory_space<semaphore_mem>>) src(%dma_wait3A_145 : memref<10000xf32, #tpu.memory_space<vmem>>) dst(%dma_wait3A_143 : memref<10000xf32, #tpu.memory_space<hbm>>)
    return
  }
}

</mosaic_0001>

<sc_bundles>
// kernel: kernel.3.cloned.1.call-start
scs
__scs_entry_jumppad:
0x0: {  	(pc) =	sbr.rel $0x88, $3  }
0x1: {  	(tag) =	ssettag $0x0;
	lr =	simm.s32 $0x1  }
0x2: {  	[smem:$0x3FA0] =	sst lr;
	_ =	strace $0xD0000000  }
0x3: {  	_ = 	snop  }
0x4: {  	_ = 	snop  }
0x5: {  	_ = 	snop  }
0x6: {  	_ = 	snop  }
0x7: {  	_ = 	snop  }
__scs_overlays_trampoline_lowered:
0x8: {  	[smem:$0x3FAF] =	sst s0  }
0x9: {  	[smem:$0x3FB0] =	sst s1  }
0xa: {  	[smem:$0x3FB1] =	sst s2  }
0xb: {  	[smem:$0x3FB2] =	sst s3  }
0xc: {  	[smem:$0x3FB3] =	sst s4  }
0xd: {  	[smem:$0x3FB4] =	sst s5  }
0xe: {  	[smem:$0x3FB5] =	sst s6  }
0xf: {  	[smem:$0x3FB6] =	sst s7  }
0x10: {  	[smem:$0x3FB7] =	sst s8  }
0x11: {  	[smem:$0x3FB8] =	sst s9;
	s0 =	simm.s32 @!p0 $0x0  }
0x12: {  	s1 =	sld [smem:$0x3F9E];
	s0 =	simm.s32 @p0 $0x1  }
0x13: {  	[smem:$0x3FB9] =	sst s0;
	s0 =	simm.s32 @!p1 $0x0  }
0x14: {  	s2 =	sld [smem:$0x3F9D];
	s0 =	simm.s32 @p1 $0x1  }
0x15: {  	[smem:$0x3FBA] =	sst s0;
	s0 =	simm.s32 @!p2 $0x0  }
0x16: {  	s3 =	sld [smem:$0x3FDB];
	s0 =	simm.s32 @p2 $0x1  }
0x17: {  	s4 =	simm.s32 $0x1BF5;
	[smem:$0x3FBC] =	sst s0  }
0x18: {  	s0 =	sld [smem:$0x3F9F];
	_ =	swait.ge [sflag:s4], $0x0  }
0x19: {  	s7 =	sld [smem:$0x3FA0]  }
0x1a: {  	s8 =	sadd.s32 $0xFFFFE003, lr  }
0x1b: {  	s9 =	sadd.s32 $0xFFFFFEF7, lr;
	s5 =	simm.s32 $0xFFFFFFFF;
	p2 =	slt.u32 s8, $0xFFFFF086  }
0x1c: {  	p1 =	slt.u32 s9, $0xF7A;
	s5 =	simm.s32 @!p2 $0x0  }
0x1d: {  	s5 =	simm.s32 @p1 $0x1;
	p0 =	seq.s32 s7, s2  }
0x1e: {  	s7 =	smul.u32 @!p0 $0xF7A, s2;
	p2 =	seq.s32 @!p0 s5, $0x0  }
0x1f: {  	s9 =	smul.u32 $0xF7A, s1;
	s8 =	simm.s32 @!p0 $0x1BF5;
	p2 =	por !p2, p0  }
0x20: {  	[sflag:s8] =	ssyncset.s32 @!p0 $0xFFFFF086;
	s6 =	sadd.s32 @!p0 s3, s7;
	s7 =	simm.s32 @!p0 $0x108  }
0x21: {  	s3 =	sadd.s32 s3, s9;
	s6 =	sadd.s32 @!p0 $0x88, s6;
	s7 =	simm.s32 @p2 $0x1082  }
0x22: {  	[simem:s7], [sflag:s8] =	dma.local @!p0 [hbm:s6], $0xF7A  }
0x23: {  	s9 =	sor.u32 $0xD0000000, s2;
	s6 =	simm.s32 $0x108;
	_ =	swait.ge @!p0 [sflag:s8], $0x0  }
0x24: {  	s3 =	sadd.s32 $0x88, s3;
	s6 =	simm.s32 @!p1 $0x1082;
	[sflag:s4] =	ssyncset.s32 $0xFFFFF086  }
0x25: {  	[simem:s6], [sflag:s4] =	dma.local [hbm:s3], $0xF7A  }
0x26: {  	[smem:$0x3FA0] =	sst s1;
	(tag) =	ssettag s2;
	_ =	strace s9  }
0x27: {  	s1 =	sld [smem:$0x3FB0]  }
0x28: {  	s2 =	sld [smem:$0x3FB1]  }
0x29: {  	s4 =	sld [smem:$0x3FB3]  }
0x2a: {  	p0 =	seq.s32 s5, $0x0;
	s5 =	sld [smem:$0x3FB4]  }
0x2b: {  	s6 =	sld [smem:$0x3FB5]  }
0x2c: {  	s7 =	sld [smem:$0x3FB6]  }
0x2d: {  	s3 =	simm.s32 $0x108;
	s8 =	sld [smem:$0x3FB7]  }
0x2e: {  	s3 =	simm.s32 @!p0 $0x1082;
	s9 =	sld [smem:$0x3FB8]  }
0x2f: {  	lr =	sadd.s32 s0, s3;
	s0 =	sld [smem:$0x3FAF]  }
0x30: {  	s3 =	sld [smem:$0x3FB2]  }
0x31: {  	[smem:$0x3FBB] =	sst s10  }
0x32: {  	s10 =	sld [smem:$0x3FB9];
	_ =	sdelay $0x3  }
0x33: {  	p0 =	seq.s32 s10, $0x1;
	s10 =	sld [smem:$0x3FBB];
	_ =	sdelay $0x3  }
0x34: {  	[smem:$0x3FBB] =	sst s10  }
0x35: {  	s10 =	sld [smem:$0x3FBA];
	_ =	sdelay $0x3  }
0x36: {  	p1 =	seq.s32 s10, $0x1;
	s10 =	sld [smem:$0x3FBB];
	_ =	sdelay $0x3  }
0x37: {  	[smem:$0x3FBB] =	sst s10  }
0x38: {  	s10 =	sld [smem:$0x3FBC]  }
0x39: {  	_ = 	snop;
	(pc) =	sbr.ind lr, $3  }
0x3a: {  	_ = 	snop  }
0x3b: {  	_ = 	snop  }
0x3c: {  	p2 =	seq.s32 s10, $0x1;
	s10 =	sld [smem:$0x3FBB]  }
0x3d: {  	_ =	shalt  }
0x3e: {  	_ =	shalt  }
0x3f: {  	_ =	shalt  }
0x40: {  	_ =	shalt  }
0x41: {  	_ =	shalt  }
0x42: {  	_ =	shalt  }
0x43: {  	_ =	shalt  }
0x44: {  	_ =	shalt  }
0x45: {  	_ =	shalt  }
0x46: {  	_ =	shalt  }
0x47: {  	_ =	shalt  }
0x48: {  	_ =	shalt  }
0x49: {  	_ =	shalt  }
0x4a: {  	_ =	shalt  }
0x4b: {  	_ =	shalt  }
0x4c: {  	_ =	shalt  }
0x4d: {  	_ =	shalt  }
0x4e: {  	_ =	shalt  }
0x4f: {  	_ =	shalt  }
0x50: {  	_ =	shalt  }
0x51: {  	_ =	shalt  }
0x52: {  	_ =	shalt  }
0x53: {  	_ =	shalt  }
0x54: {  	_ =	shalt  }
0x55: {  	_ =	shalt  }
0x56: {  	_ =	shalt  }
0x57: {  	_ =	shalt  }
0x58: {  	_ =	shalt  }
0x59: {  	_ =	shalt  }
0x5a: {  	_ =	shalt  }
0x5b: {  	_ =	shalt  }
0x5c: {  	_ =	shalt  }
0x5d: {  	_ =	shalt  }
0x5e: {  	_ =	shalt  }
0x5f: {  	_ =	shalt  }
0x60: {  	_ =	shalt  }
0x61: {  	_ =	shalt  }
0x62: {  	_ =	shalt  }
0x63: {  	_ =	shalt  }
0x64: {  	_ =	shalt  }
0x65: {  	_ =	shalt  }
0x66: {  	_ =	shalt  }
0x67: {  	_ =	shalt  }
0x68: {  	_ =	shalt  }
0x69: {  	_ =	shalt  }
0x6a: {  	_ =	shalt  }
0x6b: {  	_ =	shalt  }
0x6c: {  	_ =	shalt  }
0x6d: {  	_ =	shalt  }
0x6e: {  	_ =	shalt  }
0x6f: {  	_ =	shalt  }
0x70: {  	_ =	shalt  }
0x71: {  	_ =	shalt  }
0x72: {  	_ =	shalt  }
0x73: {  	_ =	shalt  }
0x74: {  	_ =	shalt  }
0x75: {  	_ =	shalt  }
0x76: {  	_ =	shalt  }
0x77: {  	_ =	shalt  }
0x78: {  	_ =	shalt  }
0x79: {  	_ =	shalt  }
0x7a: {  	_ =	shalt  }
0x7b: {  	_ =	shalt  }
0x7c: {  	_ =	shalt  }
0x7d: {  	_ =	shalt  }
0x7e: {  	_ =	shalt  }
0x7f: {  	_ =	shalt  }
0x80: {  	_ =	shalt  }
0x81: {  	_ =	shalt  }
0x82: {  	_ =	shalt  }
0x83: {  	_ =	shalt  }
0x84: {  	_ =	shalt  }
0x85: {  	_ =	shalt  }
0x86: {  	_ =	shalt  }
0x87: {  	_ =	shalt  }
.Lfunc_end0:
.L_simem_size_0:
called_computation_lowered:
.L_overlay_start_0:
0x88: {  	s2 =	sld [smem:$0x3FD9]  }
0x89: {  	s3 =	sld [smem:$0x3FFE];
	_ =	sdelay $0x1  }
0x8a: {  	s1 =	srdreg.scid  }
0x8b: {  	s0 =	sand.u32 $0x1, s1  }
0x8c: {  	s18 =	sshll.u32 s0, $0xA;
	s2 =	sadd.s32 s3, s2  }
0x8d: {  	s2 =	sadd.s32 s2, s18  }
0x8e: {  	[smem:$0x3FC7] =	sst s2  }
0x8f: {  	_ = 	snop  }
0x90: {  	s2 =	sld [smem:$0x3FC9]  }
0x91: {  	s19 =	sld [smem:$0x3FD0];
	(tm) =	ssettm $0x1  }
0x92: {  	s4 =	sld [smem:$0x3FFB];
	_ =	sdelay $0x3  }
0x93: {  	_ =	strace s4  }
0x94: {  	s4 =	sld [smem:$0x3FFC];
	_ =	sdelay $0x3  }
0x95: {  	_ =	strace s4  }
0x96: {  	s4 =	sld [smem:$0x3FFD];
	_ =	sdelay $0x3  }
0x97: {  	_ =	strace s4  }
0x98: {  	_ =	strace $0x8FFFFFFF  }
0x99: {  	s20 =	sld [smem:$0x3FDB];
	_ =	sdelay $0x1  }
0x9a: {  	s5 =	simm.s32 $_scs_section_size  }
0x9b: {  	s6 =	simm.s32 $_size__tile_overlayer_lowered;
	s7 =	simm.s32 $_tile_overlayer_lowered  }
0x9c: {  	s23 =	simm.s32 $0x1BFF;
	s22 =	sshll.u32 s7, $0x1;
	s4 =	sadd.s32 s5, s20  }
0x9d: {  	s8 =	simm.s32 $0x0;
	s21 =	sshll.u32 s6, $0x1;
	s6 =	sadd.s32 s22, s4  }
0x9e: {  	[timem:s8], [sflag:s23] =	dma.local [hbm:s6], s21  }
0x9f: {  	_ =	swait.ge [sflag:s23], s21  }
0xa0: {  	s5 =	ssub.s32 $0x0, s21;
	[sflag:s23] =	ssyncset.done $0x0  }
0xa1: {  	[sflag:s23] =	ssyncadd.s32 s5;
	_ =	sdelay $0x1  }
0xa2: {  	s24 =	simm.s32 $0x1B8B  }
0xa3: {  	_ =	swait.ge [sflag:s24], $0x1  }
0xa4: {  	[sflag:s24] =	ssyncset.done $0x0  }
0xa5: {  	s25 =	simm.s32 $0x1B8E;
	[sflag:s24] =	ssyncadd.s32 $0xFFFFFFFF  }
0xa6: {  	s26 =	simm.s32 $execute0_lowered;
	[smem:$0x3FD2] =	sst s25  }
0xa7: {  	s5 =	sshll.u32 s26, $0x1;
	_ =	strace $0x80000046;
	[dreg:$0x1] =	wrdreg $0xFFFFFFFF  }
0xa8: {  	s28 =	simm.s32 $_size_execute0_lowered;
	s4 =	sadd.s32 s4, s5;
	[dreg:$0x0] =	wrdreg $0x0  }
0xa9: {  	s5 =	sshll.u32 s28, $0x1;
	[dreg:$0x2] =	wrdreg s4  }
0xaa: {  	[dreg:$0x3] =	wrdreg s5  }
0xab: {  	[dreg:$0x4] =	wrdreg $0xC0  }
0xac: {  	_ =	task [dreg:s8], $0x5FFFF  }
0xad: {  	[dreg:$0x1] =	wrdreg $0xFFFFFFFF  }
0xae: {  	[dreg:$0x0] =	wrdreg $0x60  }
0xaf: {  	[dreg:$0x2] =	wrdreg s2  }
0xb0: {  	[dreg:$0x3] =	wrdreg s19  }
0xb1: {  	[dreg:$0x4] =	wrdreg $0x9  }
0xb2: {  	_ =	task.clear_ibuf [dreg:s8], $0x5FFFF;
	_ =	strace $0x90000046  }
0xb3: {  	s29 =	simm.s32 $0x9;
	_ =	strace $0x80000048  }
0xb4: {  	_ =	swait.ge [sflag:s29], $0x1  }
0xb5: {  	[sflag:s29] =	ssyncadd.s32 $0xFFFFFFFF  }
0xb6: {  	_ =	strace $0x90000048  }
0xb7: {  	_ =	sfence  }
0xb8: {  	s30 =	sld [smem:$0x0];
	_ =	sdelay $0x2  }
0xb9: {  	s31 =	sshll.u32 s1, $0xD;
	s1 =	sshrl.u32 s1, $0x2  }
0xba: {  	s3 =	sand.u32 $0x4000, s31;
	s1 =	sadd.s32 s1, s30  }
0xbb: {  	s0 =	sor.u32 s3, s0;
	s1 =	sshll.u32 s1, $0x11  }
0xbc: {  	s0 =	sor.u32 s1, s0  }
0xbd: {  	s0 =	sadd.s32 $0x8F2B, s0  }
0xbe: {  	[sflag:s0] =	ssyncadd.remote.s32 $0x1  }
0xbf: {  	_ =	sfence.sel $0xFFFF  }
0xc0: {  	[dreg:$0x0] =	wrdreg $0xFFFFFFFF;
	(pc) =	sbr.abs _section_cstart, $3  }
0xc1: {  	[dreg:$0x1] =	wrdreg $0xFFFFFFFF  }
0xc2: {  	_ =	task.clear_ibuf [dreg:s8], $0x2FFFF;
	_ =	strace $0x9FFFFFFF  }
0xc3: {  	(tm) =	ssettm $0x7FFFFFFF  }
tec
execute0_lowered:
.L_overlay_start_1:
0x0: {  	(tag) =	ssettag $0x1  }
0x1: {  	s1 =	srdreg.scid  }
0x2: {  	s0 =	stileid.u32;
	s2 =	rddreg [dreg:$0x0];
	s5 =	simm.s32 $0x0  }
0x3: {  	s10 =	simm.s32 $0x7580;
	s1 =	sand.u32 $0x1, s1;
	s3 =	sshll.u32 s0, $0x1  }
0x4: {  	s11 =	simm.s32 $0xEB00;
	s12 =	simm.s32 $0x6;
	s4 =	sor.u32 s1, s3  }
0x5: {  	s13 =	simm.s32 $0x4;
	s14 =	simm.s32 $0x5;
	s4 =	smul.u32 $0x30D40, s4  }
0x6: {  	s15 =	simm.s32 $0x0;
	[smem:$0x7FF] =	sst s5;
	s1 =	ssub.s32 $0x2, s1  }
0x7: {  	v0 =	vimm.f32 $6.000000000e+00;
	s3 =	rddreg [dreg:$0x1];
	s6 =	sshrl.u32 s1, $0x1;
	s7 =	sshrl.u32 s4, $0x3  }
0x8: {  	v2 =	vimm.f32 $1.666666720e-01;
	v3 =	vimm.f32 $8.333333580e-02;
	_ =	strace $0x80000047;
	s1 =	ssub.s32 s1, s6;
	s6 =	sadd.s32 s2, s7  }
0x9: {  	v1 =	vimm.f32 $1.200000000e+01;
	v4 =	vimm.f32 $3.332999940e-01;
	s9 =	smax.u32 s1, $0x1;
	s7 =	sadd.s32 $0xC3500, s6;
	s8 =	sadd.s32 $0x186A00, s6  }
.LBB2_1:
0xa: {  	[tilespmem:s5], [sflag:$0x1] =	stream.linear.gather [hbm4b:s6+s5], $0x2710, $0x38;
	[tilespmem:$0x16080] =	vst v63  }
0xb: {  	s16 =	simm.s32 $0x7590  }
0xc: {  	[tilespmem:s10], [sflag:$0x1] =	stream.linear.gather [hbm4b:s7+s5], $0x2710, $0x38;
	[tilespmem:$0x16080] =	vst v63  }
0xd: {  	s17 =	simm.s32 $0xEB10;
	s18 =	simm.s32 $0x0;
	s20 =	simm.s32 $0x0  }
0xe: {  	[tilespmem:s11], [sflag:$0x1] =	stream.linear.gather [hbm4b:s8+s5], $0x2710, $0x38;
	[tilespmem:$0x16080] =	vst v63  }
.LBB2_2:
0xf: {  	s1 =	smul.u32 $0xAB, s20;
	_ =	sdelay $0x1  }
0x10: {  	s19 =	sadd.s32 $0xAB, s1  }
0x11: {  	s19 =	sshrl.u32 s19, $0x9  }
0x12: {  	s19 =	sand.u32 $0x7F, s19  }
0x13: {  	s21 =	smul.u32 $0x3, s19  }
0x14: {  	p0 =	seq.s32 s20, $0x13;
	s19 =	sadd.s32 $0x1, s20  }
0x15: {  	p1 =	slt.u32 @!p0 s20, $0x2;
	s21 =	ssub.s32 s19, s21  }
0x16: {  	p1 =	por p1, p0;
	s21 =	sand.u32 $0xFF, s21  }
0x17: {  	s22 =	sadd.s32 @!p1 $0x4, s21  }
0x18: {  	_ =	swait.ge @!p1 [sflag:s22], $0x2710  }
0x19: {  	[sflag:s22] =	ssyncset.done @!p1 $0x0  }
0x1a: {  	[sflag:s22] =	ssyncadd.s32 @!p1 $0xFFFFD8F0  }
0x1b: {  	_ =	swait.ge @!p1 [sflag:s22], $0x2710  }
0x1c: {  	[sflag:s22] =	ssyncset.done @!p1 $0x0  }
0x1d: {  	s23 =	smul.u32 @!p0 $0x2710, s19;
	[sflag:s22] =	ssyncadd.s32 @!p1 $0xFFFFD8F0  }
0x1e: {  	s25 =	simm.s32 @!p0 $0x0;
	s1 =	sshrl.u32 s1, $0x9;
	_ =	swait.ge @!p1 [sflag:s22], $0x2710  }
0x1f: {  	s1 =	sand.u32 $0x7F, s1;
	s23 =	sadd.s32 @!p0 s4, s23;
	[sflag:s22] =	ssyncset.done @!p1 $0x0  }
0x20: {  	s23 =	sshrl.u32 @!p0 s23, $0x3;
	[sflag:s22] =	ssyncadd.s32 @!p1 $0xFFFFD8F0;
	s22 =	smul.u32 @!p0 $0x2710, s21  }
0x21: {  	s1 =	smul.u32 $0x3, s1;
	s24 =	sadd.s32 @!p0 $0x1, s21;
	s23 =	sadd.s32 @!p0 s2, s23  }
0x22: {  	[tilespmem:s22], [sflag:s24] =	stream.linear.gather @!p0 [hbm4b:s23+s25], $0x2710, $0x38;
	[tilespmem:$0x16080] =	vst v63  }
0x23: {  	s1 =	ssub.s32 s20, s1;
	s26 =	sadd.s32 @!p0 $0xC3500, s23;
	s21 =	sadd.s32 @!p0 $0x7580, s22  }
0x24: {  	[tilespmem:s21], [sflag:s24] =	stream.linear.gather @!p0 [hbm4b:s26+s25], $0x2710, $0x38;
	[tilespmem:$0x16080] =	vst v63  }
0x25: {  	s21 =	sand.u32 $0xFF, s1;
	s1 =	sadd.s32 @!p0 $0xEB00, s22;
	s22 =	sadd.s32 @!p0 $0x186A00, s23  }
0x26: {  	[tilespmem:s1], [sflag:s24] =	stream.linear.gather @!p0 [hbm4b:s22+s25], $0x2710, $0x38;
	[tilespmem:$0x16080] =	vst v63  }
0x27: {  	s24 =	sadd.s32 $0x1, s21  }
0x28: {  	_ =	swait.ge [sflag:s24], $0x2710  }
0x29: {  	[sflag:s24] =	ssyncset.done $0x0  }
0x2a: {  	s25 =	smulhi.u32 $0xAAAAAAAB, s20;
	[sflag:s24] =	ssyncadd.s32 $0xFFFFD8F0  }
0x2b: {  	_ =	swait.ge [sflag:s24], $0x2710  }
0x2c: {  	s22 =	sshrl.u32 s25, $0x1;
	[sflag:s24] =	ssyncset.done $0x0  }
0x2d: {  	s22 =	smul.u32 $0xFFFE2B40, s22;
	[sflag:s24] =	ssyncadd.s32 $0xFFFFD8F0  }
0x2e: {  	_ =	swait.ge [sflag:s24], $0x2710  }
0x2f: {  	s26 =	sshra.s32 s22, $0x2;
	[sflag:s24] =	ssyncset.done $0x0  }
0x30: {  	s22 =	sadd.s32 s26, s17;
	[sflag:s24] =	ssyncadd.s32 $0xFFFFD8F0  }
0x31: {  	s29 =	sadd.s32 s26, s18;
	v5 =	vld [tilespmem:s22+$0x0]  }
0x32: {  	s23 =	sadd.s32 s26, s16;
	v6 =	vld [tilespmem:s29+$0x10]  }
0x33: {  	v7 =	vld [tilespmem:s23+$0x0]  }
0x34: {  	v8 =	vld [tilespmem:s22+$0xFFFFFFF0]  }
0x35: {  	s1 =	sadd.s32 $0x20, s23;
	v9 =	vld [tilespmem:s29+$0x0]  }
0x36: {  	v14 =	vld [tilespmem:s1+$0x0];
	vm2 =	vle.f32 v5, $1.666666870e-01  }
0x37: {  	vm0 =	vle.f32 v5, $-1.666666570e-01;
	v6 =	vadd.f32 $5.000000000e-01, v6;
	v5 =	vsel vm2, $0x41400000, v0  }
0x38: {  	v10 =	vld [tilespmem:s23+$0xFFFFFFF0];
	v7 =	vadd.f32 $5.000000000e-01, v7;
	v5 =	vsel vm0, $0x42C00000, v5  }
0x39: {  	vm1 =	vle.f32 v8, $1.666666870e-01;
	vm3 =	vle.f32 v8, $-1.666666570e-01;
	v6 =	vmul.f32 v5, v6  }
0x3a: {  	v9 =	vadd.f32 $5.000000000e-01, v9;
	v11 =	vsel vm0, $0x40400000, v1;
	v5 =	vadd.f32 $-1.000000000e+00, v5  }
0x3b: {  	v14 =	vadd.f32 $5.000000000e-01, v14;
	v7 =	vmul.f32 v11, v7;
	v6 =	vmax.f32 v6, $0.0e+00  }
0x3c: {  	v12 =	vsel vm1, $0x41400000, v0;
	v8 =	vadd.f32 $-1.000000000e+00, v11;
	v5 =	vmin.f32 v5, v6  }
0x3d: {  	v6 =	vmax.f32 v7, $0.0e+00;
	v7 =	vadd.f32 $5.000000000e-01, v10;
	v5 =	vtrunc.f32 v5  }
0x3e: {  	v6 =	vmin.f32 v8, v6;
	v8 =	vsel vm2, $0x3DAAAAAB, v2;
	v5 =	vadd.f32 $5.000000000e-01, v5  }
0x3f: {  	v10 =	vsel vm3, $0x42C00000, v12;
	v6 =	vtrunc.f32 v6;
	v8 =	vsel vm0, $0x3C2AAAAB, v8  }
0x40: {  	s24 =	sadd.s32 $0x20, s22;
	v6 =	vadd.f32 $5.000000000e-01, v6;
	v8 =	vmul.f32 v5, v8;
	v5 =	vmul.f32 v10, v9  }
0x41: {  	s25 =	sadd.s32 $0x20, s29;
	v11 =	vsel vm3, $0x40400000, v1;
	v12 =	vsel vm0, $0x3EAAAAAB, v3;
	v9 =	vld [tilespmem:s24+$0x0];
	v10 =	vadd.f32 $-1.000000000e+00, v10  }
0x42: {  	v12 =	vmul.f32 v6, v12;
	v6 =	vmul.f32 v11, v7;
	v7 =	vld [tilespmem:s25+$0x10];
	v5 =	vmax.f32 v5, $0.0e+00  }
0x43: {  	v13 =	vsel vm1, $0x3DAAAAAB, v2;
	v11 =	vadd.f32 $-1.000000000e+00, v11;
	v5 =	vmin.f32 v10, v5  }
0x44: {  	v6 =	vmax.f32 v6, $0.0e+00;
	v10 =	vsel vm2, $0x0, v4;
	v5 =	vtrunc.f32 v5  }
0x45: {  	v6 =	vmin.f32 v11, v6;
	v11 =	vsel vm0, $0xBEAAA64C, v10;
	v10 =	vsel vm3, $0x3C2AAAAB, v13  }
0x46: {  	v5 =	vadd.f32 $5.000000000e-01, v5;
	vm2 =	vle.f32 v9, $1.666666870e-01;
	vm0 =	vle.f32 v9, $-1.666666570e-01  }
0x47: {  	v13 =	vld [tilespmem:s24+$0xFFFFFFF0];
	v6 =	vtrunc.f32 v6;
	v9 =	vsel vm2, $0x41400000, v0;
	v7 =	vadd.f32 $5.000000000e-01, v7  }
0x48: {  	v15 =	vsel vm3, $0x3EAAAAAB, v3;
	v6 =	vadd.f32 $5.000000000e-01, v6;
	v9 =	vsel vm0, $0x42C00000, v9  }
0x49: {  	v10 =	vmul.f32 v5, v10;
	v5 =	vsel vm0, $0x40400000, v1;
	v7 =	vmul.f32 v9, v7  }
0x4a: {  	v9 =	vadd.f32 $-1.000000000e+00, v9;
	v6 =	vmul.f32 v6, v15;
	v15 =	vsel vm1, $0x0, v4  }
0x4b: {  	v14 =	vmul.f32 v5, v14;
	v16 =	vadd.f32 $-1.000000000e+00, v5;
	v5 =	vsel vm3, $0xBEAAA64C, v15  }
0x4c: {  	vm1 =	vle.f32 v13, $1.666666870e-01;
	vm3 =	vle.f32 v13, $-1.666666570e-01;
	v13 =	vld [tilespmem:s1+$0xFFFFFFF0];
	v7 =	vmax.f32 v7, $0.0e+00  }
0x4d: {  	v14 =	vmax.f32 v14, $0.0e+00;
	v7 =	vmin.f32 v9, v7;
	v9 =	vld [tilespmem:s25+$0x0]  }
0x4e: {  	v8 =	vadd.f32 $-5.000000000e-01, v8;
	v14 =	vmin.f32 v16, v14;
	v7 =	vtrunc.f32 v7  }
0x4f: {  	v15 =	vsel vm2, $0x3DAAAAAB, v2;
	v14 =	vtrunc.f32 v14;
	v7 =	vadd.f32 $5.000000000e-01, v7  }
0x50: {  	v12 =	vadd.f32 $-5.000000000e-01, v12;
	v15 =	vsel vm0, $0x3C2AAAAB, v15;
	v14 =	vadd.f32 $5.000000000e-01, v14  }
0x51: {  	[tilespmem:s29+$0x10] =	vst v8;
	v8 =	vadd.f32 $5.000000000e-01, v13;
	v7 =	vmul.f32 v7, v15;
	v15 =	vsel vm0, $0x3EAAAAAB, v3  }
0x52: {  	v14 =	vmul.f32 v14, v15;
	v15 =	vsel vm1, $0x41400000, v0;
	v9 =	vadd.f32 $5.000000000e-01, v9  }
0x53: {  	v63 =	vadd.f32 $-5.000000000e-01, v10;
	v13 =	vsel vm3, $0x40400000, v1;
	v10 =	vsel vm3, $0x42C00000, v15  }
0x54: {  	[tilespmem:s23+$0x0] =	vst v12;
	v12 =	vmul.f32 v13, v8;
	v8 =	vadd.f32 $-1.000000000e+00, v13;
	v9 =	vmul.f32 v10, v9  }
0x55: {  	s30 =	simm.s32 $0x20;
	s28 =	smul.u32 $0x2710, s21;
	[tilespmem:s22+$0x0] =	vst v11;
	v11 =	vadd.f32 $-5.000000000e-01, v7;
	v10 =	vadd.f32 $-1.000000000e+00, v10  }
0x56: {  	s31 =	smov.u32 s25;
	s26 =	smov.u32 s1;
	[tilespmem:s29+$0x0] =	vst v63;
	s29 =	sadd.s32 $0x20, s24;
	v7 =	vsel vm1, $0x3DAAAAAB, v2;
	v13 =	vmax.f32 v9, $0.0e+00;
	v9 =	vadd.f32 $-5.000000000e-01, v14  }
.LBB2_3:
0x57: {  	v14 =	vld [tilespmem:s29+$0x0];
	v10 =	vmin.f32 v10, v13;
	v12 =	vmax.f32 v12, $0.0e+00;
	[tilespmem:s25+$0x10] =	vst v11;
	v11 =	vsel vm2, $0x0, v4;
	s31 =	sadd.s32 $0x20, s31  }
0x58: {  	s26 =	sadd.s32 $0x20, s26;
	v13 =	vld [tilespmem:s31+$0x10];
	v10 =	vtrunc.f32 v10;
	v8 =	vmin.f32 v8, v12;
	[tilespmem:s1+$0x0] =	vst v9;
	v9 =	vsel vm0, $0xBEAAA64C, v11  }
0x59: {  	s30 =	sadd.s32 $0x20, s30;
	v7 =	vsel vm3, $0x3C2AAAAB, v7;
	v11 =	vld [tilespmem:s26+$0x0];
	v10 =	vadd.f32 $5.000000000e-01, v10;
	v8 =	vtrunc.f32 v8;
	[tilespmem:s24+$0x0] =	vst v9  }
0x5a: {  	v15 =	vadd.f32 $-5.000000000e-01, v6;
	p0 =	slt.u32 s30, $0x26E0;
	v12 =	vsel vm3, $0x3EAAAAAB, v3;
	v9 =	vld [tilespmem:s29+$0xFFFFFFF0];
	v8 =	vadd.f32 $5.000000000e-01, v8  }
0x5b: {  	v16 =	vld [tilespmem:s26+$0xFFFFFFF0];
	v7 =	vmul.f32 v10, v7;
	v10 =	vsel vm1, $0x0, v4  }
0x5c: {  	v17 =	vld [tilespmem:s31+$0x0];
	vm2 =	vle.f32 v14, $1.666666870e-01;
	v6 =	vmul.f32 v8, v12;
	v8 =	vsel vm3, $0xBEAAA64C, v10;
	[tilespmem:s23+$0xFFFFFFF0] =	vst v15;
	s23 =	smov.u32 s1;
	s1 =	smov.u32 s26  }
0x5d: {  	vm0 =	vle.f32 v14, $-1.666666570e-01;
	v10 =	vsel vm2, $0x41400000, v0;
	v12 =	vadd.f32 $5.000000000e-01, v13;
	[tilespmem:s22+$0xFFFFFFF0] =	vst v5;
	v5 =	vmovc v8;
	s22 =	smov.u32 s24;
	s24 =	smov.u32 s29  }
0x5e: {  	v7 =	vadd.f32 $-5.000000000e-01, v7;
	v8 =	vsel vm0, $0x42C00000, v10;
	v10 =	vadd.f32 $5.000000000e-01, v11  }
0x5f: {  	v11 =	vsel vm0, $0x40400000, v1;
	vm1 =	vle.f32 v9, $1.666666870e-01;
	v12 =	vmul.f32 v8, v12  }
0x60: {  	v8 =	vadd.f32 $-1.000000000e+00, v8;
	v13 =	vsel vm1, $0x41400000, v0;
	v10 =	vmul.f32 v11, v10;
	[tilespmem:s25+$0x0] =	vst v7;
	s25 =	smov.u32 s31  }
0x61: {  	vm3 =	vle.f32 v9, $-1.666666570e-01;
	v9 =	vadd.f32 $-1.000000000e+00, v11;
	v7 =	vmax.f32 v12, $0.0e+00  }
0x62: {  	v11 =	vadd.f32 $5.000000000e-01, v17;
	v7 =	vmin.f32 v8, v7;
	v8 =	vmax.f32 v10, $0.0e+00  }
0x63: {  	v12 =	vadd.f32 $5.000000000e-01, v16;
	v7 =	vtrunc.f32 v7;
	v8 =	vmin.f32 v9, v8  }
0x64: {  	v9 =	vsel vm2, $0x3DAAAAAB, v2;
	v7 =	vadd.f32 $5.000000000e-01, v7;
	v8 =	vtrunc.f32 v8  }
.Ltmp0:
0x65: {  	v10 =	vsel vm3, $0x42C00000, v13;
	v9 =	vsel vm0, $0x3C2AAAAB, v9;
	v8 =	vadd.f32 $5.000000000e-01, v8;
	(pc) =	sbr.rel @p0 .LBB2_3-.Ltmp0, $4  }
0x66: {  	v14 =	vsel vm0, $0x3EAAAAAB, v3;
	v13 =	vsel vm3, $0x40400000, v1;
	v7 =	vmul.f32 v7, v9  }
0x67: {  	v9 =	vmul.f32 v10, v11;
	v10 =	vadd.f32 $-1.000000000e+00, v10;
	v14 =	vmul.f32 v8, v14  }
0x68: {  	v12 =	vmul.f32 v13, v12;
	v8 =	vadd.f32 $-1.000000000e+00, v13;
	v11 =	vadd.f32 $-5.000000000e-01, v7  }
0x69: {  	s29 =	sadd.s32 $0x20, s29;
	v7 =	vsel vm1, $0x3DAAAAAB, v2;
	v13 =	vmax.f32 v9, $0.0e+00;
	v9 =	vadd.f32 $-5.000000000e-01, v14  }
0x6a: {  	v10 =	vmin.f32 v10, v13;
	v12 =	vmax.f32 v12, $0.0e+00  }
0x6b: {  	v10 =	vtrunc.f32 v10;
	v8 =	vmin.f32 v8, v12  }
0x6c: {  	v59 =	vsel vm2, $0x0, v4;
	v10 =	vadd.f32 $5.000000000e-01, v10;
	v8 =	vtrunc.f32 v8  }
0x6d: {  	[tilespmem:s25+$0x10] =	vst v11;
	v7 =	vsel vm3, $0x3C2AAAAB, v7;
	v61 =	vsel vm3, $0x3EAAAAAB, v3;
	v8 =	vadd.f32 $5.000000000e-01, v8  }
0x6e: {  	v6 =	vadd.f32 $-5.000000000e-01, v6;
	v60 =	vsel vm0, $0xBEAAA64C, v59;
	[tilespmem:s1+$0x0] =	vst v9;
	v7 =	vmul.f32 v10, v7  }
0x6f: {  	[tilespmem:s24+$0x0] =	vst v60;
	v8 =	vmul.f32 v8, v61  }
0x70: {  	[tilespmem:s23+$0xFFFFFFF0] =	vst v6;
	v6 =	vadd.f32 $-5.000000000e-01, v7  }
0x71: {  	[tilespmem:s22+$0xFFFFFFF0] =	vst v5;
	v5 =	vadd.f32 $-5.000000000e-01, v8  }
0x72: {  	v7 =	vsel vm1, $0x0, v4;
	[tilespmem:s25+$0x0] =	vst v6  }
0x73: {  	s23 =	sand.u32 $0x7FF0, s28;
	v6 =	vsel vm3, $0xBEAAA64C, v7;
	[tilespmem:s1+$0xFFFFFFF0] =	vst v5  }
0x74: {  	[tilespmem:s24+$0xFFFFFFF0] =	vst v6;
	s24 =	sadd.s32 $0x2700, s23  }
0x75: {  	v5 =	vld [tilespmem:s24+$0xEB00]  }
0x76: {  	v6 =	vld [tilespmem:s23+$0x2700]  }
0x77: {  	v7 =	vld [tilespmem:s23+$0x9C80];
	_ =	sdelay $0x2  }
0x78: {  	vm14 =	vle.f32 v5, $1.666666870e-01  }
0x79: {  	vm15 =	vle.f32 v5, $-1.666666570e-01;
	v6 =	vadd.f32 $5.000000000e-01, v6;
	v5 =	vsel vm14, $0x41400000, v0  }
0x7a: {  	v7 =	vadd.f32 $5.000000000e-01, v7;
	v5 =	vsel vm15, $0x42C00000, v5  }
0x7b: {  	v62 =	vsel vm15, $0x40400000, v1;
	v6 =	vmul.f32 v5, v6  }
0x7c: {  	v7 =	vmul.f32 v62, v7;
	v5 =	vadd.f32 $-1.000000000e+00, v5  }
0x7d: {  	v8 =	vadd.f32 $-1.000000000e+00, v62;
	v6 =	vmax.f32 v6, $0.0e+00  }
0x7e: {  	v5 =	vmin.f32 v5, v6;
	v6 =	vmax.f32 v7, $0.0e+00  }
0x7f: {  	v5 =	vtrunc.f32 v5;
	v6 =	vmin.f32 v8, v6  }
0x80: {  	v7 =	vsel vm14, $0x3DAAAAAB, v2;
	v5 =	vadd.f32 $5.000000000e-01, v5;
	v6 =	vtrunc.f32 v6  }
0x81: {  	v7 =	vsel vm15, $0x3C2AAAAB, v7;
	v6 =	vadd.f32 $5.000000000e-01, v6  }
0x82: {  	v63 =	vsel vm15, $0x3EAAAAAB, v3;
	v5 =	vmul.f32 v5, v7  }
0x83: {  	v6 =	vmul.f32 v6, v63  }
0x84: {  	s20 =	smul.u32 $0x2710, s20;
	v5 =	vadd.f32 $-5.000000000e-01, v5  }
0x85: {  	v6 =	vadd.f32 $-5.000000000e-01, v6  }
0x86: {  	s20 =	sadd.s32 s4, s20;
	[tilespmem:s23+$0x2700] =	vst v5;
	v5 =	vsel vm14, $0x0, v4  }
0x87: {  	s25 =	sshrl.u32 s20, $0x3;
	[tilespmem:s23+$0x9C80] =	vst v6;
	v5 =	vsel vm15, $0xBEAAA64C, v5  }
0x88: {  	s26 =	sadd.s32 $0x4, s21;
	p0 =	sne.s32 s19, $0x14;
	s1 =	sadd.s32 s3, s25;
	[tilespmem:s24+$0xEB00] =	vst v5  }
0x89: {  	[hbm4b:s1+s5] =	stream.linear.scatter [tilespmem:s28], [sflag:s26], $0x2710, $0x38;
	[tilespmem:$0x16080] =	vst v63  }
.Ltmp1:
0x8a: {  	s29 =	sadd.s32 $0x7580, s28;
	s31 =	sadd.s32 $0xEB00, s28;
	(pc) =	sbr.rel @p0 .LBB2_2-.Ltmp1, $4  }
0x8b: {  	s18 =	sadd.s32 $0x2710, s18;
	s16 =	sadd.s32 $0x2710, s16;
	s30 =	sadd.s32 $0xC3500, s1  }
0x8c: {  	[hbm4b:s30+s5] =	stream.linear.scatter [tilespmem:s29], [sflag:s26], $0x2710, $0x38;
	[tilespmem:$0x16080] =	vst v63  }
0x8d: {  	s17 =	sadd.s32 $0x2710, s17;
	s20 =	smov.u32 s19;
	s1 =	sadd.s32 $0x186A00, s1  }
0x8e: {  	[hbm4b:s1+s5] =	stream.linear.scatter [tilespmem:s31], [sflag:s26], $0x2710, $0x38;
	[tilespmem:$0x16080] =	vst v63  }
0x8f: {  	_ =	swait.ge [sflag:s12], $0x2710  }
0x90: {  	[sflag:s12] =	ssyncset.done $0x0  }
0x91: {  	[sflag:s12] =	ssyncadd.s32 $0xFFFFD8F0  }
0x92: {  	_ =	swait.ge [sflag:s12], $0x2710  }
0x93: {  	[sflag:s12] =	ssyncset.done $0x0  }
0x94: {  	[sflag:s12] =	ssyncadd.s32 $0xFFFFD8F0  }
0x95: {  	_ =	swait.ge [sflag:s12], $0x2710  }
0x96: {  	[sflag:s12] =	ssyncset.done $0x0  }
0x97: {  	[sflag:s12] =	ssyncadd.s32 $0xFFFFD8F0  }
0x98: {  	_ =	swait.ge [sflag:s13], $0x2710  }
0x99: {  	[sflag:s13] =	ssyncset.done $0x0  }
0x9a: {  	[sflag:s13] =	ssyncadd.s32 $0xFFFFD8F0  }
0x9b: {  	_ =	swait.ge [sflag:s13], $0x2710  }
0x9c: {  	[sflag:s13] =	ssyncset.done $0x0  }
0x9d: {  	[sflag:s13] =	ssyncadd.s32 $0xFFFFD8F0  }
0x9e: {  	_ =	swait.ge [sflag:s13], $0x2710  }
0x9f: {  	[sflag:s13] =	ssyncset.done $0x0  }
0xa0: {  	[sflag:s13] =	ssyncadd.s32 $0xFFFFD8F0  }
0xa1: {  	_ =	swait.ge [sflag:s14], $0x2710  }
0xa2: {  	[sflag:s14] =	ssyncset.done $0x0  }
0xa3: {  	s15 =	sadd.s32 $0x1, s15;
	[sflag:s14] =	ssyncadd.s32 $0xFFFFD8F0  }
0xa4: {  	p0 =	sne.s32 s15, s9;
	_ =	swait.ge [sflag:s14], $0x2710  }
.Ltmp2:
0xa5: {  	[sflag:s14] =	ssyncset.done $0x0;
	(pc) =	sbr.rel @p0 .LBB2_1-.Ltmp2, $4  }
0xa6: {  	[sflag:s14] =	ssyncadd.s32 $0xFFFFD8F0  }
0xa7: {  	_ =	swait.ge [sflag:s14], $0x2710  }
0xa8: {  	[sflag:s14] =	ssyncset.done $0x0  }
0xa9: {  	[sflag:s14] =	ssyncadd.s32 $0xFFFFD8F0  }
0xaa: {  	_ =	sfence.sel $0x180000  }
0xab: {  	[bflag:$0x0] =	sbarrier.arrive $0xFFFF  }
0xac: {  	_ =	strace $0x90000047  }
0xad: {  	[bflag:$0x2] =	sbarrier.arrive $0xFFFF  }
0xae: {  	p0 =	sne.s32 s0, $0x0;
	s0 =	rddreg [dreg:$0x2]  }
0xaf: {  	s0 =	sadd.s32 @!p0 $0x100000, s0  }
0xb0: {  	[sflag:s0] =	ssyncadd.tile.s32 @!p0 $0x1;
	_ =	shalt  }
.Lfunc_end2:
_tile_overlayer_lowered:
.L_overlay_start_2:
0xb1: {  	(tag) =	ssettag $0x2  }
0xb2: {  	s0 =	rddreg [dreg:$0x0];
	s2 =	stileid.u32  }
0xb3: {  	s1 =	rddreg [dreg:$0x1];
	p0 =	sne.s32 s2, $0x0  }
0xb4: {  	s3 =	rddreg [dreg:$0x2];
	[bflag:$0x3] =	sbarrier.arrive $0xFFFF;
	s2 =	simm.s32 @!p0 $0x1C07  }
0xb5: {  	[timem:s3], [sflag:s2] =	dma.local @!p0 [hbm:s0], s1  }
0xb6: {  	s0 =	simm.s32 @!p0 $0x7  }
0xb7: {  	_ =	swait.ge @!p0 [sflag:s0], s1  }
0xb8: {  	s1 =	ssub.s32 @!p0 $0x0, s1;
	[sflag:s0] =	ssyncset.done @!p0 $0x0  }
0xb9: {  	[sflag:s0] =	ssyncadd.s32 @!p0 s1  }
0xba: {  	[bflag:$0x3] =	sbarrier.arrive $0xFFFF  }
0xbb: {  	_ =	shalt  }

</sc_bundles>
